<compile_context>
chip_gen: v7x
topology: tpu7x:2x2x1
jax: 0.10.2.dev20260603
libtpu: 0.0.44.dev20260713+nightly
codegen_flags: <defaults>
</compile_context>

<pallas_src>
import functools

import jax
import jax.numpy as jnp
import numpy as np
from jax import lax
from jax.experimental import pallas as pl
from jax.experimental.pallas import tpu as pltpu
from jax.experimental.pallas import tpu_sc as plsc

_NEG = 0.01

N = 10000
E = 640000
D = 128
NPAD = 10240
NC, NS = 2, 16
NW = NC * NS
CHUNK = 96
NCHUNK = -(-E // (NW * CHUNK))
NCHUNK += NCHUNK % 2
EPW = NCHUNK * CHUNK
EPAD = NW * EPW - E
BN = 2000
GRID = N // BN


def _lk(v):
    return jnp.where(v >= 0, v, _NEG * v)


def _dot(a, b):
    return jnp.dot(a, b, preferred_element_type=jnp.float32)


def _x1_body(xr, w, b, o):
    o[...] = _lk(_dot(xr[...], w[...]) + b[...])


def _x1_call(x_real, wfc, bfc):
    return pl.pallas_call(
        _x1_body,
        grid=(GRID,),
        in_specs=[
            pl.BlockSpec((BN, 60), lambda i: (i, 0)),
            pl.BlockSpec((60, D), lambda i: (0, 0)),
            pl.BlockSpec((1, D), lambda i: (0, 0)),
        ],
        out_specs=pl.BlockSpec((BN, D), lambda i: (i, 0)),
        out_shape=jax.ShapeDtypeStruct((N, D), jnp.float32),
    )(x_real, wfc, bfc)


def _scatter_partials(x1p, src, dst):
    mesh = plsc.VectorSubcoreMesh(core_axis_name="c", subcore_axis_name="s")
    srcp = jnp.pad(src, (0, EPAD))
    dstp = jnp.pad(dst, (0, EPAD), constant_values=N)
    e4 = jnp.stack([srcp.reshape(NW, NCHUNK, CHUNK),
                    dstp.reshape(NW, NCHUNK, CHUNK)], axis=2)

    @functools.partial(
        pl.kernel,
        out_type=jax.ShapeDtypeStruct((NC * NPAD, D), jnp.float32),
        mesh=mesh,
        scratch_types=[
            pltpu.VMEM((2, CHUNK), jnp.int32),
            pltpu.VMEM((2, CHUNK), jnp.int32),
            pltpu.VMEM((CHUNK, D), jnp.float32),
            pltpu.VMEM((CHUNK, D), jnp.float32),
            pltpu.VMEM_SHARED((NPAD, D), jnp.float32),
            pltpu.SemaphoreType.DMA,
            pltpu.SemaphoreType.DMA,
            pltpu.SemaphoreType.DMA,
            pltpu.SemaphoreType.DMA,
        ],
    )
    def scat(x1_hbm, e_hbm, out_hbm, i0, i1, b0, b1, acc,
             sem0, sem1, semi0, semi1):
        cid = lax.axis_index("c")
        sid = lax.axis_index("s")
        wid = sid * NC + cid

        def zrow(i, _):
            for j in range(D // 16):
                b0[i, pl.ds(j * 16, 16)] = jnp.zeros((16,), jnp.float32)
            return 0

        lax.fori_loop(0, CHUNK, zrow, 0)
        rows_per_tile = NPAD // NS
        rpt = rows_per_tile // CHUNK
        base_r = sid * rows_per_tile
        for j in range(rpt):
            pltpu.sync_copy(b0, acc.at[pl.ds(base_r + j * CHUNK, CHUNK)])
        plsc.subcore_barrier()

        def ldidx(j, ibuf, sem):
            return pltpu.async_copy(e_hbm.at[wid, j], ibuf, sem)

        def gather(ibuf, buf, sem):
            return pltpu.async_copy(x1_hbm.at[ibuf.at[0]], buf, sem)

        def scat_add(ibuf, buf):
            pltpu.sync_copy(buf, acc.at[ibuf.at[1]], add=True)

        ldidx(0, i0, semi0).wait()
        ldidx(1, i1, semi1).wait()
        gather(i0, b0, sem0)

        def body2(k, _):
            j = 2 * k
            g1 = gather(i1, b1, sem1)
            pltpu.make_async_copy(x1_hbm.at[i0.at[0]], b0, sem0).wait()
            scat_add(i0, b0)
            li0 = ldidx(j + 2, i0, semi0)
            li0.wait()
            g2 = gather(i0, b0, sem0)
            g1.wait()
            scat_add(i1, b1)
            li1 = ldidx(j + 3, i1, semi1)
            li1.wait()
            return 0

        lax.fori_loop(0, NCHUNK // 2 - 2, body2, 0)
        j = NCHUNK - 4
        g1 = gather(i1, b1, sem1)
        pltpu.make_async_copy(x1_hbm.at[i0.at[0]], b0, sem0).wait()
        scat_add(i0, b0)
        ldidx(j + 2, i0, semi0).wait()
        g2 = gather(i0, b0, sem0)
        g1.wait()
        scat_add(i1, b1)
        ldidx(j + 3, i1, semi1).wait()
        g2.wait()
        g3 = gather(i1, b1, sem1)
        scat_add(i0, b0)
        g3.wait()
        scat_add(i1, b1)
        plsc.subcore_barrier()

        pltpu.sync_copy(
            acc.at[pl.ds(base_r, rows_per_tile)],
            out_hbm.at[pl.ds(cid * NPAD + base_r, rows_per_tile)])

    return scat(x1p, e4)


def _dense_body(x30, x1, p0, p1, eps1, w1t, b1, w2t, b2,
                a0, a1, bca, mw1a, mb1a, mw2a, mb2a, sa, bsa,
                bmat, bcb, mw1b, mb1b, mw2b, mb2b, sb, bsb,
                cmat, bcc, mw1c, mb1c, mw2c, mb2c, scm, bsc,
                dmat, bcd, o_ref):
    def sig(t):
        return 1.0 / (1.0 + jnp.exp(-t))

    def mlp(t, w1, bb1, w2, bb2):
        return _dot(jnp.maximum(_dot(t, w1) + bb1, 0.0), w2) + bb2

    h = x1[...] * eps1[0, 0] + p0[...] + p1[...]
    h = _lk(_dot(h, w1t[...]) + b1[...])
    h = _lk(_dot(h, w2t[...]) + b2[...])
    x1r = _lk(h)

    v = _lk(_dot(x30[...], a0[...]) + _dot(x1r, a1[...]) + bca[...])

    s = [v[:, i * 64:(i + 1) * 64] for i in range(5)]
    avg = (s[0] + s[1] + s[2] + s[3] + s[4]) * 0.2
    mx = jnp.maximum(jnp.maximum(jnp.maximum(s[0], s[1]),
                                 jnp.maximum(s[2], s[3])), s[4])
    esum = (jnp.exp(s[0] - mx) + jnp.exp(s[1] - mx) + jnp.exp(s[2] - mx)
            + jnp.exp(s[3] - mx) + jnp.exp(s[4] - mx))
    lse = mx + jnp.log(esum)
    att = (mlp(avg, mw1a[...], mb1a[...], mw2a[...], mb2a[...])
           + mlp(mx, mw1a[...], mb1a[...], mw2a[...], mb2a[...])
           + mlp(lse, mw1a[...], mb1a[...], mw2a[...], mb2a[...]))
    g = sig(att)
    s = [si * g for si in s]
    comp = jnp.concatenate(
        [jnp.max(si, axis=1, keepdims=True) for si in s]
        + [jnp.mean(si, axis=1, keepdims=True) for si in s], axis=1)
    sg = sig(_dot(comp, sa[...]) + bsa[...])
    v = jnp.concatenate([s[i] * sg[:, i:i + 1] for i in range(5)], axis=1)

    v = _lk(_dot(v.astype(jnp.bfloat16), bmat[...]) + bcb[...])

    t0, t1 = v[:, :128], v[:, 128:]
    avg = (t0 + t1) * 0.5
    mx = jnp.maximum(t0, t1)
    lse = mx + jnp.log(jnp.exp(t0 - mx) + jnp.exp(t1 - mx))
    att = (mlp(avg, mw1b[...], mb1b[...], mw2b[...], mb2b[...])
           + mlp(mx, mw1b[...], mb1b[...], mw2b[...], mb2b[...])
           + mlp(lse, mw1b[...], mb1b[...], mw2b[...], mb2b[...]))
    g = sig(att)
    t0 = t0 * g
    t1 = t1 * g
    comp = jnp.concatenate(
        [jnp.max(t0, axis=1, keepdims=True), jnp.max(t1, axis=1, keepdims=True),
         jnp.mean(t0, axis=1, keepdims=True), jnp.mean(t1, axis=1, keepdims=True)],
        axis=1)
    sg = sig(_dot(comp, sb[...]) + bsb[...])
    v = jnp.concatenate([t0 * sg[:, 0:1], t1 * sg[:, 1:2]], axis=1)

    v = _lk(_dot(v.astype(jnp.bfloat16), cmat[...]) + bcc[...])

    att = 3.0 * mlp(v, mw1c[...], mb1c[...], mw2c[...], mb2c[...])
    v = v * sig(att)
    comp = jnp.concatenate(
        [jnp.max(v, axis=1, keepdims=True), jnp.mean(v, axis=1, keepdims=True)],
        axis=1)
    sg = sig(_dot(comp, scm[...]) + bsc[...])
    v = v * sg

    o_ref[...] = _lk(_dot(v.astype(jnp.bfloat16), dmat[...]) + bcd[...])


def _dense_call(args):
    blocked = [
        pl.BlockSpec((BN, 30), lambda i: (i, 0)),
        pl.BlockSpec((BN, D), lambda i: (i, 0)),
        pl.BlockSpec((BN, D), lambda i: (i, 0)),
        pl.BlockSpec((BN, D), lambda i: (i, 0)),
    ]
    full = [pl.BlockSpec(a.shape, lambda i: (0, 0)) for a in args[4:]]
    return pl.pallas_call(
        _dense_body,
        grid=(GRID,),
        in_specs=blocked + full,
        out_specs=pl.BlockSpec((BN, 64), lambda i: (i, 0)),
        out_shape=jax.ShapeDtypeStruct((N, 64), jnp.float32),
    )(*args)


def kernel(x, x_real, params, edge_index):
    p = params
    f32 = jnp.float32

    wfc = jnp.pad(p['fc_w'].T, ((0, 0), (0, D - 120)))
    bfc = jnp.pad(p['fc_b'], (0, D - 120))[None]
    x1p = _x1_call(x_real, wfc, bfc)

    part = _scatter_partials(x1p, edge_index[0], edge_index[1])
    p0 = part[:N]
    p1 = part[NPAD:NPAD + N]

    eps1 = (1.0 + p['gin_eps']).reshape(1, 1)
    w1t = jnp.pad(p['gin_w1'].T, ((0, D - 120), (0, 0)))
    b1 = p['gin_b1'][None]
    w2t = p['gin_w2'].T
    b2 = p['gin_b2'][None]

    e1 = (np.arange(15)[:, None, None]
          == 3 * np.arange(5)[None, :, None] + np.arange(2)[None, None, :])
    A = jnp.einsum('hpk,ockw->chwpo', e1.astype(np.float32),
                   p['ca_w']).reshape(60, 320)
    a0, a1 = A[:30], A[30:]
    bca = jnp.tile(p['ca_b'], 5)[None]

    bnsc = 1.0 / np.sqrt(1.0 + 1e-5)
    cba = p['cbam_a']
    mw1a, mb1a = cba['mw1'].T, cba['mb1'][None]
    mw2a, mb2a = cba['mw2'].T, cba['mb2'][None]
    e3 = (np.arange(7)[None, None, :]
          == np.arange(5)[:, None, None] - np.arange(5)[None, :, None] + 3)
    sa = jnp.einsum('hpk,ck->chp', e3.astype(np.float32),
                    cba['sw'][0, :, :, 3]).reshape(10, 5) * (cba['bn_w'][0] * bnsc)
    bsa = jnp.tile(cba['bn_b'], 5)[None]

    e2 = (np.arange(5)[:, None, None]
          == 2 * np.arange(2)[None, :, None] + np.arange(2)[None, None, :])
    B = jnp.einsum('pqk,ock->pcqo', e2.astype(np.float32),
                   p['cb_w'][:, :, :, 0]).reshape(320, 256).astype(jnp.bfloat16)
    bcb = jnp.tile(p['cb_b'], 2)[None]

    cbb = p['cbam_b']
    mw1b, mb1b = cbb['mw1'].T, cbb['mb1'][None]
    mw2b, mb2b = cbb['mw2'].T, cbb['mb2'][None]
    e4 = (np.arange(7)[None, None, :]
          == np.arange(2)[:, None, None] - np.arange(2)[None, :, None] + 3)
    sb = jnp.einsum('hpk,ck->chp', e4.astype(np.float32),
                    cbb['sw'][0, :, :, 3]).reshape(4, 2) * (cbb['bn_w'][0] * bnsc)
    bsb = jnp.tile(cbb['bn_b'], 2)[None]

    C = jnp.transpose(p['cc_w'][:, :, :, 0],
                      (2, 1, 0)).reshape(256, 256).astype(jnp.bfloat16)
    bcc = p['cc_b'][None]

    cbc = p['cbam_c']
    mw1c, mb1c = cbc['mw1'].T, cbc['mb1'][None]
    mw2c, mb2c = cbc['mw2'].T, cbc['mb2'][None]
    scm = jnp.stack([cbc['sw'][0, 0, 3, 3],
                     cbc['sw'][0, 1, 3, 3]])[:, None] * (cbc['bn_w'][0] * bnsc)
    bsc = cbc['bn_b'][None]

    dmat = p['cd_w'][:, :, 0, 0].T.astype(jnp.bfloat16)
    bcd = p['cd_b'][None]

    x30 = x.reshape(N, 30)
    out = _dense_call([
        x30, x1p, p0, p1, eps1, w1t, b1, w2t, b2,
        a0, a1, bca, mw1a, mb1a, mw2a, mb2a, sa, bsa,
        B, bcb, mw1b, mb1b, mw2b, mb2b, sb, bsb,
        C, bcc, mw1c, mb1c, mw2c, mb2c, scm, bsc,
        dmat, bcd,
    ])
    return out.reshape(N, 64, 1, 1)

# --- scband reference (transcript-rebuilt; emitter-appended) ---
"""Pipeline reference for scband-net-ginconv-28226525070249 (READ-ONLY COPY).

The authoritative reference and input builder live on the scoring server;
editing this copy changes nothing except your own understanding.
"""

import jax, jax.numpy as jnp
import numpy as np

N_NODES = 10000
N_EDGES = 640000
OUTPUT_SIZE = 64
NEG_SLOPE = 0.01

def _leaky(v):
    return jnp.where(v >= 0, v, NEG_SLOPE * v)

def _conv2d(x, w, b=None, stride=(1, 1), padding=((0, 0), (0, 0))):
    out = jax.lax.conv_general_dilated(x, w, window_strides=stride, padding=padding,
                                       dimension_numbers=('NCHW', 'OIHW', 'NCHW'))
    if b is not None:
        out = out + b[None, :, None, None]
    return out

def _channel_gate(x, mw1, mb1, mw2, mb2):
    n, c, h, w = x.shape
    def mlp(v):
        return jax.nn.relu(v @ mw1.T + mb1) @ mw2.T + mb2
    avg = jnp.mean(x, axis=(2, 3))
    mx = jnp.max(x, axis=(2, 3))
    flat = x.reshape(n, c, -1)
    s = jnp.max(flat, axis=2)
    lse = s + jnp.log(jnp.sum(jnp.exp(flat - s[:, :, None]), axis=2))
    att = mlp(avg) + mlp(mx) + mlp(lse)
    scale = jax.nn.sigmoid(att)[:, :, None, None]
    return x * scale

def _spatial_gate(x, sw, bn_w, bn_b):
    comp = jnp.concatenate([jnp.max(x, axis=1, keepdims=True),
                            jnp.mean(x, axis=1, keepdims=True)], axis=1)
    out = _conv2d(comp, sw, None, (1, 1), ((3, 3), (3, 3)))
    out = out / jnp.sqrt(1.0 + 1e-5) * bn_w[None, :, None, None] + bn_b[None, :, None, None]
    return x * jax.nn.sigmoid(out)

def _cbam(x, p):
    x = _channel_gate(x, p['mw1'], p['mb1'], p['mw2'], p['mb2'])
    x = _spatial_gate(x, p['sw'], p['bn_w'], p['bn_b'])
    return x

def setup_inputs(seed: int = 0):
    key = jax.random.key(seed)
    ks = jax.random.split(key, 32)
    x = jax.random.normal(ks[0], (N_NODES, 1, 15, 2), jnp.float32)
    x_real = jax.random.normal(ks[1], (N_NODES, 60), jnp.float32)
    edge_index = jax.random.randint(ks[2], (2, N_EDGES), 0, N_NODES, dtype=jnp.int32)
    def w(i, shape):
        fan_in = int(np.prod(shape[1:])) if len(shape) > 1 else shape[0]
        return jax.random.normal(ks[i], shape, jnp.float32) / np.sqrt(fan_in)
    def cbam_p(i, c, r=16):
        h = c // r
        return {'mw1': w(i, (h, c)), 'mb1': jnp.zeros((h,), jnp.float32),
                'mw2': w(i + 1, (c, h)), 'mb2': jnp.zeros((c,), jnp.float32),
                'sw': w(i + 2, (1, 2, 7, 7)),
                'bn_w': jnp.ones((1,), jnp.float32), 'bn_b': jnp.zeros((1,), jnp.float32)}
    params = {
        'fc_w': w(3, (120, 60)), 'fc_b': jnp.zeros((120,), jnp.float32),
        'gin_eps': jnp.zeros((), jnp.float32),
        'gin_w1': w(4, (60, 120)), 'gin_b1': jnp.zeros((60,), jnp.float32),
        'gin_w2': w(5, (30, 60)), 'gin_b2': jnp.zeros((30,), jnp.float32),
        'ca_w': w(6, (64, 2, 2, 2)), 'ca_b': jnp.zeros((64,), jnp.float32),
        'cbam_a': cbam_p(7, 64),
        'cb_w': w(10, (128, 64, 2, 1)), 'cb_b': jnp.zeros((128,), jnp.float32),
        'cbam_b': cbam_p(11, 128),
        'cc_w': w(14, (256, 128, 2, 1)), 'cc_b': jnp.zeros((256,), jnp.float32),
        'cbam_c': cbam_p(15, 256),
        'cd_w': w(18, (OUTPUT_SIZE, 256, 1, 1)), 'cd_b': jnp.zeros((OUTPUT_SIZE,), jnp.float32),
    }
    return {'x': x, 'x_real': x_real, 'params': params, 'edge_index': edge_index}

def _forward(x, x_real, params, edge_index):
    x1 = _leaky(x_real @ params['fc_w'].T + params['fc_b'])
    src, dst = edge_index[0], edge_index[1]
    agg = jnp.zeros_like(x1).at[dst].add(x1[src])
    h = (1.0 + params['gin_eps']) * x1 + agg
    h = _leaky(h @ params['gin_w1'].T + params['gin_b1'])
    h = _leaky(h @ params['gin_w2'].T + params['gin_b2'])
    x1 = _leaky(h).reshape(x.shape)
    xc = jnp.concatenate([x, x1], axis=1)
    xc = _leaky(_conv2d(xc, params['ca_w'], params['ca_b'], (3, 3)))
    xc = _cbam(xc, params['cbam_a'])
    xc = _leaky(_conv2d(xc, params['cb_w'], params['cb_b'], (2, 2)))
    xc = _cbam(xc, params['cbam_b'])
    xc = _leaky(_conv2d(xc, params['cc_w'], params['cc_b'], (2, 2)))
    xc = _cbam(xc, params['cbam_c'])
    xc = _leaky(_conv2d(xc, params['cd_w'], params['cd_b'], (1, 1)))
    return xc

def reference(x, x_real, params, edge_index):
    return _forward(x, x_real, params, edge_index)

if __name__ == "__main__":
    import jax
    _d = setup_inputs()
    print(jax.jit(kernel)(*tuple(_d.values())))

</pallas_src>

<mosaic_0001>
#map = affine_map<(d0, d1) -> (0, 0)>
#map1 = affine_map<(d0, d1) -> (0, 0, 0, 0)>
module attributes {stable_mosaic.version = 14 : i64} {
  func.func @scat(%arg0: i32, %arg1: i32, %arg2: memref<10000x128xf32, #tpu.memory_space<hbm>>, %arg3: memref<32x210x2x96xi32, #tpu.memory_space<hbm>>, %arg4: memref<20480x128xf32, #tpu.memory_space<hbm>>, %arg5: memref<2x96xi32, #tpu.memory_space<vmem>>, %arg6: memref<2x96xi32, #tpu.memory_space<vmem>>, %arg7: memref<96x128xf32, #tpu.memory_space<vmem>>, %arg8: memref<96x128xf32, #tpu.memory_space<vmem>>, %arg9: memref<10240x128xf32, #tpu.memory_space<vmem_shared>>, %arg10: memref<!tpu.dma_semaphore, #tpu.memory_space<semaphore_mem>>, %arg11: memref<!tpu.dma_semaphore, #tpu.memory_space<semaphore_mem>>, %arg12: memref<!tpu.dma_semaphore, #tpu.memory_space<semaphore_mem>>, %arg13: memref<!tpu.dma_semaphore, #tpu.memory_space<semaphore_mem>>) attributes {dimension_semantics = [#tpu.dimension_semantics<core_parallel>, #tpu.dimension_semantics<subcore_parallel>], iteration_bounds = array<i64: 2, 16>, scalar_prefetch = 0 : i64, scratch_operands = 9 : i64, tpu.core_type = #tpu.core_type<sc_vector_subcore>, window_params = [{transform_indices = #map}, {transform_indices = #map1}, {transform_indices = #map}]} {
    %mul3A = arith.constant 2 : i32
    %mul3A_0 = arith.muli %arg1, %mul3A : i32
    %add3A = arith.addi %mul3A_0, %arg0 : i32
    %scan3A = arith.constant 0 : i32
    %scan3A_1 = arith.constant 0 : i32
    %scan3A_2 = arith.constant 96 : i32
    %scan3A_3 = arith.addi %scan3A_1, %scan3A_2 : i32
    %scan3A_4 = arith.constant 1 : i32
    %scan3A_5 = scf.for %scan3A_161 = %scan3A_1 to %scan3A_3 step %scan3A_4 iter_args(%scan3A_162 = %scan3A) -> (i32)  : i32 {
      %broadcast_in_dim3A = arith.constant 0.000000e+00 : f32
      %broadcast_in_dim3A_163 = vector.broadcast %broadcast_in_dim3A : f32 to vector<16xf32>
      %swap3A = arith.index_cast %scan3A_161 : i32 to index
      %swap3A_164 = arith.constant 0 : index
      %swap3A_165 = tpu.vector_load %arg7[%swap3A, %swap3A_164] {strides = array<i32>} : memref<96x128xf32, #tpu.memory_space<vmem>>, vector<1x16xf32>,
      %swap3A_166 = vector.shape_cast %swap3A_165 : vector<1x16xf32> to vector<16xf32>
      %swap3A_167 = vector.shape_cast %broadcast_in_dim3A_163 : vector<16xf32> to vector<1x16xf32>
      tpu.vector_store %arg7[%swap3A, %swap3A_164], %swap3A_167 {strides = array<i32>} : memref<96x128xf32, #tpu.memory_space<vmem>>, vector<1x16xf32>,
      %broadcast_in_dim3A_168 = arith.constant 0.000000e+00 : f32
      %broadcast_in_dim3A_169 = vector.broadcast %broadcast_in_dim3A_168 : f32 to vector<16xf32>
      %swap3A_170 = arith.index_cast %scan3A_161 : i32 to index
      %swap3A_171 = arith.constant 16 : index
      %swap3A_172 = tpu.vector_load %arg7[%swap3A_170, %swap3A_171] {strides = array<i32>} : memref<96x128xf32, #tpu.memory_space<vmem>>, vector<1x16xf32>,
      %swap3A_173 = vector.shape_cast %swap3A_172 : vector<1x16xf32> to vector<16xf32>
      %swap3A_174 = vector.shape_cast %broadcast_in_dim3A_169 : vector<16xf32> to vector<1x16xf32>
      tpu.vector_store %arg7[%swap3A_170, %swap3A_171], %swap3A_174 {strides = array<i32>} : memref<96x128xf32, #tpu.memory_space<vmem>>, vector<1x16xf32>,
      %broadcast_in_dim3A_175 = arith.constant 0.000000e+00 : f32
      %broadcast_in_dim3A_176 = vector.broadcast %broadcast_in_dim3A_175 : f32 to vector<16xf32>
      %swap3A_177 = arith.index_cast %scan3A_161 : i32 to index
      %swap3A_178 = arith.constant 32 : index
      %swap3A_179 = tpu.vector_load %arg7[%swap3A_177, %swap3A_178] {strides = array<i32>} : memref<96x128xf32, #tpu.memory_space<vmem>>, vector<1x16xf32>,
      %swap3A_180 = vector.shape_cast %swap3A_179 : vector<1x16xf32> to vector<16xf32>
      %swap3A_181 = vector.shape_cast %broadcast_in_dim3A_176 : vector<16xf32> to vector<1x16xf32>
      tpu.vector_store %arg7[%swap3A_177, %swap3A_178], %swap3A_181 {strides = array<i32>} : memref<96x128xf32, #tpu.memory_space<vmem>>, vector<1x16xf32>,
      %broadcast_in_dim3A_182 = arith.constant 0.000000e+00 : f32
      %broadcast_in_dim3A_183 = vector.broadcast %broadcast_in_dim3A_182 : f32 to vector<16xf32>
      %swap3A_184 = arith.index_cast %scan3A_161 : i32 to index
      %swap3A_185 = arith.constant 48 : index
      %swap3A_186 = tpu.vector_load %arg7[%swap3A_184, %swap3A_185] {strides = array<i32>} : memref<96x128xf32, #tpu.memory_space<vmem>>, vector<1x16xf32>,
      %swap3A_187 = vector.shape_cast %swap3A_186 : vector<1x16xf32> to vector<16xf32>
      %swap3A_188 = vector.shape_cast %broadcast_in_dim3A_183 : vector<16xf32> to vector<1x16xf32>
      tpu.vector_store %arg7[%swap3A_184, %swap3A_185], %swap3A_188 {strides = array<i32>} : memref<96x128xf32, #tpu.memory_space<vmem>>, vector<1x16xf32>,
      %broadcast_in_dim3A_189 = arith.constant 0.000000e+00 : f32
      %broadcast_in_dim3A_190 = vector.broadcast %broadcast_in_dim3A_189 : f32 to vector<16xf32>
      %swap3A_191 = arith.index_cast %scan3A_161 : i32 to index
      %swap3A_192 = arith.constant 64 : index
      %swap3A_193 = tpu.vector_load %arg7[%swap3A_191, %swap3A_192] {strides = array<i32>} : memref<96x128xf32, #tpu.memory_space<vmem>>, vector<1x16xf32>,
      %swap3A_194 = vector.shape_cast %swap3A_193 : vector<1x16xf32> to vector<16xf32>
      %swap3A_195 = vector.shape_cast %broadcast_in_dim3A_190 : vector<16xf32> to vector<1x16xf32>
      tpu.vector_store %arg7[%swap3A_191, %swap3A_192], %swap3A_195 {strides = array<i32>} : memref<96x128xf32, #tpu.memory_space<vmem>>, vector<1x16xf32>,
      %broadcast_in_dim3A_196 = arith.constant 0.000000e+00 : f32
      %broadcast_in_dim3A_197 = vector.broadcast %broadcast_in_dim3A_196 : f32 to vector<16xf32>
      %swap3A_198 = arith.index_cast %scan3A_161 : i32 to index
      %swap3A_199 = arith.constant 80 : index
      %swap3A_200 = tpu.vector_load %arg7[%swap3A_198, %swap3A_199] {strides = array<i32>} : memref<96x128xf32, #tpu.memory_space<vmem>>, vector<1x16xf32>,
      %swap3A_201 = vector.shape_cast %swap3A_200 : vector<1x16xf32> to vector<16xf32>
      %swap3A_202 = vector.shape_cast %broadcast_in_dim3A_197 : vector<16xf32> to vector<1x16xf32>
      tpu.vector_store %arg7[%swap3A_198, %swap3A_199], %swap3A_202 {strides = array<i32>} : memref<96x128xf32, #tpu.memory_space<vmem>>, vector<1x16xf32>,
      %broadcast_in_dim3A_203 = arith.constant 0.000000e+00 : f32
      %broadcast_in_dim3A_204 = vector.broadcast %broadcast_in_dim3A_203 : f32 to vector<16xf32>
      %swap3A_205 = arith.index_cast %scan3A_161 : i32 to index
      %swap3A_206 = arith.constant 96 : index
      %swap3A_207 = tpu.vector_load %arg7[%swap3A_205, %swap3A_206] {strides = array<i32>} : memref<96x128xf32, #tpu.memory_space<vmem>>, vector<1x16xf32>,
      %swap3A_208 = vector.shape_cast %swap3A_207 : vector<1x16xf32> to vector<16xf32>
      %swap3A_209 = vector.shape_cast %broadcast_in_dim3A_204 : vector<16xf32> to vector<1x16xf32>
      tpu.vector_store %arg7[%swap3A_205, %swap3A_206], %swap3A_209 {strides = array<i32>} : memref<96x128xf32, #tpu.memory_space<vmem>>, vector<1x16xf32>,
      %broadcast_in_dim3A_210 = arith.constant 0.000000e+00 : f32
      %broadcast_in_dim3A_211 = vector.broadcast %broadcast_in_dim3A_210 : f32 to vector<16xf32>
      %swap3A_212 = arith.index_cast %scan3A_161 : i32 to index
      %swap3A_213 = arith.constant 112 : index
      %swap3A_214 = tpu.vector_load %arg7[%swap3A_212, %swap3A_213] {strides = array<i32>} : memref<96x128xf32, #tpu.memory_space<vmem>>, vector<1x16xf32>,
      %swap3A_215 = vector.shape_cast %swap3A_214 : vector<1x16xf32> to vector<16xf32>
      %swap3A_216 = vector.shape_cast %broadcast_in_dim3A_211 : vector<16xf32> to vector<1x16xf32>
      tpu.vector_store %arg7[%swap3A_212, %swap3A_213], %swap3A_216 {strides = array<i32>} : memref<96x128xf32, #tpu.memory_space<vmem>>, vector<1x16xf32>,
      %scan3A_217 = arith.constant 0 : i32
      scf.yield %scan3A_217 : i32
    }
    %scan3A_6 = arith.constant 96 : i32
    %mul3A_7 = arith.constant 640 : i32
    %mul3A_8 = arith.muli %arg1, %mul3A_7 : i32
    %add3A_9 = arith.constant 0 : i32
    %add3A_10 = arith.addi %mul3A_8, %add3A_9 : i32
    "tpu.region"() ({
      %run_scoped3A_161 = tpu.sem_alloc : memref<!tpu.dma_semaphore, #tpu.memory_space<semaphore_mem>>
      %dma_start3A_162 = arith.constant 0 : i32
      %dma_start3A_163 = tpu.memref_slice %arg9[%add3A_10, %dma_start3A_162] : memref<10240x128xf32, #tpu.memory_space<vmem_shared>> -> memref<96x128xf32, #tpu.memory_space<vmem_shared>>
      %dma_start3A_164 = arith.constant 0 : i32
      %dma_start3A_165 = tpu.memref_slice %arg9[%add3A_10, %dma_start3A_164] : memref<10240x128xf32, #tpu.memory_space<vmem_shared>> -> memref<96x128xf32, #tpu.memory_space<vmem_shared>>
      tpu.enqueue_dma source(%arg7 : memref<96x128xf32, #tpu.memory_space<vmem>>) target(%dma_start3A_165 : memref<96x128xf32, #tpu.memory_space<vmem_shared>>) target_semaphore(%run_scoped3A_161 : memref<!tpu.dma_semaphore, #tpu.memory_space<semaphore_mem>>)
      %dma_wait3A_166 = arith.constant 0 : i32
      %dma_wait3A_167 = tpu.memref_slice %arg9[%add3A_10, %dma_wait3A_166] : memref<10240x128xf32, #tpu.memory_space<vmem_shared>> -> memref<96x128xf32, #tpu.memory_space<vmem_shared>>
      %dma_wait3A_168 = arith.constant 0 : i32
      %dma_wait3A_169 = tpu.memref_slice %arg9[%add3A_10, %dma_wait3A_168] : memref<10240x128xf32, #tpu.memory_space<vmem_shared>> -> memref<96x128xf32, #tpu.memory_space<vmem_shared>>
      tpu.wait_dma2 semaphore(%run_scoped3A_161 : memref<!tpu.dma_semaphore, #tpu.memory_space<semaphore_mem>>) src(%arg7 : memref<96x128xf32, #tpu.memory_space<vmem>>) dst(%dma_wait3A_169 : memref<96x128xf32, #tpu.memory_space<vmem_shared>>)
      tpu.yield
    }) : () -> ()
    %add3A_11 = arith.constant 96 : i32
    %add3A_12 = arith.addi %mul3A_8, %add3A_11 : i32
    "tpu.region"() ({
      %run_scoped3A_161 = tpu.sem_alloc : memref<!tpu.dma_semaphore, #tpu.memory_space<semaphore_mem>>
      %dma_start3A_162 = arith.constant 0 : i32
      %dma_start3A_163 = tpu.memref_slice %arg9[%add3A_12, %dma_start3A_162] : memref<10240x128xf32, #tpu.memory_space<vmem_shared>> -> memref<96x128xf32, #tpu.memory_space<vmem_shared>>
      %dma_start3A_164 = arith.constant 0 : i32
      %dma_start3A_165 = tpu.memref_slice %arg9[%add3A_12, %dma_start3A_164] : memref<10240x128xf32, #tpu.memory_space<vmem_shared>> -> memref<96x128xf32, #tpu.memory_space<vmem_shared>>
      tpu.enqueue_dma source(%arg7 : memref<96x128xf32, #tpu.memory_space<vmem>>) target(%dma_start3A_165 : memref<96x128xf32, #tpu.memory_space<vmem_shared>>) target_semaphore(%run_scoped3A_161 : memref<!tpu.dma_semaphore, #tpu.memory_space<semaphore_mem>>)
      %dma_wait3A_166 = arith.constant 0 : i32
      %dma_wait3A_167 = tpu.memref_slice %arg9[%add3A_12, %dma_wait3A_166] : memref<10240x128xf32, #tpu.memory_space<vmem_shared>> -> memref<96x128xf32, #tpu.memory_space<vmem_shared>>
      %dma_wait3A_168 = arith.constant 0 : i32
      %dma_wait3A_169 = tpu.memref_slice %arg9[%add3A_12, %dma_wait3A_168] : memref<10240x128xf32, #tpu.memory_space<vmem_shared>> -> memref<96x128xf32, #tpu.memory_space<vmem_shared>>
      tpu.wait_dma2 semaphore(%run_scoped3A_161 : memref<!tpu.dma_semaphore, #tpu.memory_space<semaphore_mem>>) src(%arg7 : memref<96x128xf32, #tpu.memory_space<vmem>>) dst(%dma_wait3A_169 : memref<96x128xf32, #tpu.memory_space<vmem_shared>>)
      tpu.yield
    }) : () -> ()
    %add3A_13 = arith.constant 192 : i32
    %add3A_14 = arith.addi %mul3A_8, %add3A_13 : i32
    "tpu.region"() ({
      %run_scoped3A_161 = tpu.sem_alloc : memref<!tpu.dma_semaphore, #tpu.memory_space<semaphore_mem>>
      %dma_start3A_162 = arith.constant 0 : i32
      %dma_start3A_163 = tpu.memref_slice %arg9[%add3A_14, %dma_start3A_162] : memref<10240x128xf32, #tpu.memory_space<vmem_shared>> -> memref<96x128xf32, #tpu.memory_space<vmem_shared>>
      %dma_start3A_164 = arith.constant 0 : i32
      %dma_start3A_165 = tpu.memref_slice %arg9[%add3A_14, %dma_start3A_164] : memref<10240x128xf32, #tpu.memory_space<vmem_shared>> -> memref<96x128xf32, #tpu.memory_space<vmem_shared>>
      tpu.enqueue_dma source(%arg7 : memref<96x128xf32, #tpu.memory_space<vmem>>) target(%dma_start3A_165 : memref<96x128xf32, #tpu.memory_space<vmem_shared>>) target_semaphore(%run_scoped3A_161 : memref<!tpu.dma_semaphore, #tpu.memory_space<semaphore_mem>>)
      %dma_wait3A_166 = arith.constant 0 : i32
      %dma_wait3A_167 = tpu.memref_slice %arg9[%add3A_14, %dma_wait3A_166] : memref<10240x128xf32, #tpu.memory_space<vmem_shared>> -> memref<96x128xf32, #tpu.memory_space<vmem_shared>>
      %dma_wait3A_168 = arith.constant 0 : i32
      %dma_wait3A_169 = tpu.memref_slice %arg9[%add3A_14, %dma_wait3A_168] : memref<10240x128xf32, #tpu.memory_space<vmem_shared>> -> memref<96x128xf32, #tpu.memory_space<vmem_shared>>
      tpu.wait_dma2 semaphore(%run_scoped3A_161 : memref<!tpu.dma_semaphore, #tpu.memory_space<semaphore_mem>>) src(%arg7 : memref<96x128xf32, #tpu.memory_space<vmem>>) dst(%dma_wait3A_169 : memref<96x128xf32, #tpu.memory_space<vmem_shared>>)
      tpu.yield
    }) : () -> ()
    %add3A_15 = arith.constant 288 : i32
    %add3A_16 = arith.addi %mul3A_8, %add3A_15 : i32
    "tpu.region"() ({
      %run_scoped3A_161 = tpu.sem_alloc : memref<!tpu.dma_semaphore, #tpu.memory_space<semaphore_mem>>
      %dma_start3A_162 = arith.constant 0 : i32
      %dma_start3A_163 = tpu.memref_slice %arg9[%add3A_16, %dma_start3A_162] : memref<10240x128xf32, #tpu.memory_space<vmem_shared>> -> memref<96x128xf32, #tpu.memory_space<vmem_shared>>
      %dma_start3A_164 = arith.constant 0 : i32
      %dma_start3A_165 = tpu.memref_slice %arg9[%add3A_16, %dma_start3A_164] : memref<10240x128xf32, #tpu.memory_space<vmem_shared>> -> memref<96x128xf32, #tpu.memory_space<vmem_shared>>
      tpu.enqueue_dma source(%arg7 : memref<96x128xf32, #tpu.memory_space<vmem>>) target(%dma_start3A_165 : memref<96x128xf32, #tpu.memory_space<vmem_shared>>) target_semaphore(%run_scoped3A_161 : memref<!tpu.dma_semaphore, #tpu.memory_space<semaphore_mem>>)
      %dma_wait3A_166 = arith.constant 0 : i32
      %dma_wait3A_167 = tpu.memref_slice %arg9[%add3A_16, %dma_wait3A_166] : memref<10240x128xf32, #tpu.memory_space<vmem_shared>> -> memref<96x128xf32, #tpu.memory_space<vmem_shared>>
      %dma_wait3A_168 = arith.constant 0 : i32
      %dma_wait3A_169 = tpu.memref_slice %arg9[%add3A_16, %dma_wait3A_168] : memref<10240x128xf32, #tpu.memory_space<vmem_shared>> -> memref<96x128xf32, #tpu.memory_space<vmem_shared>>
      tpu.wait_dma2 semaphore(%run_scoped3A_161 : memref<!tpu.dma_semaphore, #tpu.memory_space<semaphore_mem>>) src(%arg7 : memref<96x128xf32, #tpu.memory_space<vmem>>) dst(%dma_wait3A_169 : memref<96x128xf32, #tpu.memory_space<vmem_shared>>)
      tpu.yield
    }) : () -> ()
    %add3A_17 = arith.constant 384 : i32
    %add3A_18 = arith.addi %mul3A_8, %add3A_17 : i32
    "tpu.region"() ({
      %run_scoped3A_161 = tpu.sem_alloc : memref<!tpu.dma_semaphore, #tpu.memory_space<semaphore_mem>>
      %dma_start3A_162 = arith.constant 0 : i32
      %dma_start3A_163 = tpu.memref_slice %arg9[%add3A_18, %dma_start3A_162] : memref<10240x128xf32, #tpu.memory_space<vmem_shared>> -> memref<96x128xf32, #tpu.memory_space<vmem_shared>>
      %dma_start3A_164 = arith.constant 0 : i32
      %dma_start3A_165 = tpu.memref_slice %arg9[%add3A_18, %dma_start3A_164] : memref<10240x128xf32, #tpu.memory_space<vmem_shared>> -> memref<96x128xf32, #tpu.memory_space<vmem_shared>>
      tpu.enqueue_dma source(%arg7 : memref<96x128xf32, #tpu.memory_space<vmem>>) target(%dma_start3A_165 : memref<96x128xf32, #tpu.memory_space<vmem_shared>>) target_semaphore(%run_scoped3A_161 : memref<!tpu.dma_semaphore, #tpu.memory_space<semaphore_mem>>)
      %dma_wait3A_166 = arith.constant 0 : i32
      %dma_wait3A_167 = tpu.memref_slice %arg9[%add3A_18, %dma_wait3A_166] : memref<10240x128xf32, #tpu.memory_space<vmem_shared>> -> memref<96x128xf32, #tpu.memory_space<vmem_shared>>
      %dma_wait3A_168 = arith.constant 0 : i32
      %dma_wait3A_169 = tpu.memref_slice %arg9[%add3A_18, %dma_wait3A_168] : memref<10240x128xf32, #tpu.memory_space<vmem_shared>> -> memref<96x128xf32, #tpu.memory_space<vmem_shared>>
      tpu.wait_dma2 semaphore(%run_scoped3A_161 : memref<!tpu.dma_semaphore, #tpu.memory_space<semaphore_mem>>) src(%arg7 : memref<96x128xf32, #tpu.memory_space<vmem>>) dst(%dma_wait3A_169 : memref<96x128xf32, #tpu.memory_space<vmem_shared>>)
      tpu.yield
    }) : () -> ()
    %add3A_19 = arith.constant 480 : i32
    %add3A_20 = arith.addi %mul3A_8, %add3A_19 : i32
    "tpu.region"() ({
      %run_scoped3A_161 = tpu.sem_alloc : memref<!tpu.dma_semaphore, #tpu.memory_space<semaphore_mem>>
      %dma_start3A_162 = arith.constant 0 : i32
      %dma_start3A_163 = tpu.memref_slice %arg9[%add3A_20, %dma_start3A_162] : memref<10240x128xf32, #tpu.memory_space<vmem_shared>> -> memref<96x128xf32, #tpu.memory_space<vmem_shared>>
      %dma_start3A_164 = arith.constant 0 : i32
      %dma_start3A_165 = tpu.memref_slice %arg9[%add3A_20, %dma_start3A_164] : memref<10240x128xf32, #tpu.memory_space<vmem_shared>> -> memref<96x128xf32, #tpu.memory_space<vmem_shared>>
      tpu.enqueue_dma source(%arg7 : memref<96x128xf32, #tpu.memory_space<vmem>>) target(%dma_start3A_165 : memref<96x128xf32, #tpu.memory_space<vmem_shared>>) target_semaphore(%run_scoped3A_161 : memref<!tpu.dma_semaphore, #tpu.memory_space<semaphore_mem>>)
      %dma_wait3A_166 = arith.constant 0 : i32
      %dma_wait3A_167 = tpu.memref_slice %arg9[%add3A_20, %dma_wait3A_166] : memref<10240x128xf32, #tpu.memory_space<vmem_shared>> -> memref<96x128xf32, #tpu.memory_space<vmem_shared>>
      %dma_wait3A_168 = arith.constant 0 : i32
      %dma_wait3A_169 = tpu.memref_slice %arg9[%add3A_20, %dma_wait3A_168] : memref<10240x128xf32, #tpu.memory_space<vmem_shared>> -> memref<96x128xf32, #tpu.memory_space<vmem_shared>>
      tpu.wait_dma2 semaphore(%run_scoped3A_161 : memref<!tpu.dma_semaphore, #tpu.memory_space<semaphore_mem>>) src(%arg7 : memref<96x128xf32, #tpu.memory_space<vmem>>) dst(%dma_wait3A_169 : memref<96x128xf32, #tpu.memory_space<vmem_shared>>)
      tpu.yield
    }) : () -> ()
    %barrier3A = arith.constant 0 : index
    tpu.barrier barrier_id(%barrier3A)
    %dma_start3A = arith.constant 0 : i32
    %dma_start3A_21 = arith.constant 0 : i32
    %dma_start3A_22 = arith.constant 0 : i32
    %dma_start3A_23 = tpu.memref_slice %arg3[%add3A, %dma_start3A, %dma_start3A_21, %dma_start3A_22] : memref<32x210x2x96xi32, #tpu.memory_space<hbm>> -> memref<1x1x2x96xi32, #tpu.memory_space<hbm>>
    %dma_start3A_24 = tpu.memref_squeeze %dma_start3A_23 : memref<1x1x2x96xi32, #tpu.memory_space<hbm>> -> memref<2x96xi32, #tpu.memory_space<hbm>>
    %dma_start3A_25 = arith.constant 0 : i32
    %dma_start3A_26 = arith.constant 0 : i32
    %dma_start3A_27 = tpu.memref_slice %arg3[%add3A, %dma_start3A, %dma_start3A_25, %dma_start3A_26] : memref<32x210x2x96xi32, #tpu.memory_space<hbm>> -> memref<1x1x2x96xi32, #tpu.memory_space<hbm>>
    %dma_start3A_28 = tpu.memref_squeeze %dma_start3A_27 : memref<1x1x2x96xi32, #tpu.memory_space<hbm>> -> memref<2x96xi32, #tpu.memory_space<hbm>>
    tpu.enqueue_dma source(%dma_start3A_28 : memref<2x96xi32, #tpu.memory_space<hbm>>) target(%arg5 : memref<2x96xi32, #tpu.memory_space<vmem>>) target_semaphore(%arg12 : memref<!tpu.dma_semaphore, #tpu.memory_space<semaphore_mem>>)
    %dma_wait3A = arith.constant 0 : i32
    %dma_wait3A_29 = arith.constant 0 : i32
    %dma_wait3A_30 = arith.constant 0 : i32
    %dma_wait3A_31 = tpu.memref_slice %arg3[%add3A, %dma_wait3A, %dma_wait3A_29, %dma_wait3A_30] : memref<32x210x2x96xi32, #tpu.memory_space<hbm>> -> memref<1x1x2x96xi32, #tpu.memory_space<hbm>>
    %dma_wait3A_32 = tpu.memref_squeeze %dma_wait3A_31 : memref<1x1x2x96xi32, #tpu.memory_space<hbm>> -> memref<2x96xi32, #tpu.memory_space<hbm>>
    %dma_wait3A_33 = arith.constant 0 : i32
    %dma_wait3A_34 = arith.constant 0 : i32
    %dma_wait3A_35 = tpu.memref_slice %arg3[%add3A, %dma_wait3A, %dma_wait3A_33, %dma_wait3A_34] : memref<32x210x2x96xi32, #tpu.memory_space<hbm>> -> memref<1x1x2x96xi32, #tpu.memory_space<hbm>>
    %dma_wait3A_36 = tpu.memref_squeeze %dma_wait3A_35 : memref<1x1x2x96xi32, #tpu.memory_space<hbm>> -> memref<2x96xi32, #tpu.memory_space<hbm>>
    tpu.wait_dma2 semaphore(%arg12 : memref<!tpu.dma_semaphore, #tpu.memory_space<semaphore_mem>>) src(%dma_wait3A_36 : memref<2x96xi32, #tpu.memory_space<hbm>>) dst(%arg5 : memref<2x96xi32, #tpu.memory_space<vmem>>)
    %dma_start3A_37 = arith.constant 1 : i32
    %dma_start3A_38 = arith.constant 0 : i32
    %dma_start3A_39 = arith.constant 0 : i32
    %dma_start3A_40 = tpu.memref_slice %arg3[%add3A, %dma_start3A_37, %dma_start3A_38, %dma_start3A_39] : memref<32x210x2x96xi32, #tpu.memory_space<hbm>> -> memref<1x1x2x96xi32, #tpu.memory_space<hbm>>
    %dma_start3A_41 = tpu.memref_squeeze %dma_start3A_40 : memref<1x1x2x96xi32, #tpu.memory_space<hbm>> -> memref<2x96xi32, #tpu.memory_space<hbm>>
    %dma_start3A_42 = arith.constant 0 : i32
    %dma_start3A_43 = arith.constant 0 : i32
    %dma_start3A_44 = tpu.memref_slice %arg3[%add3A, %dma_start3A_37, %dma_start3A_42, %dma_start3A_43] : memref<32x210x2x96xi32, #tpu.memory_space<hbm>> -> memref<1x1x2x96xi32, #tpu.memory_space<hbm>>
    %dma_start3A_45 = tpu.memref_squeeze %dma_start3A_44 : memref<1x1x2x96xi32, #tpu.memory_space<hbm>> -> memref<2x96xi32, #tpu.memory_space<hbm>>
    tpu.enqueue_dma source(%dma_start3A_45 : memref<2x96xi32, #tpu.memory_space<hbm>>) target(%arg6 : memref<2x96xi32, #tpu.memory_space<vmem>>) target_semaphore(%arg13 : memref<!tpu.dma_semaphore, #tpu.memory_space<semaphore_mem>>)
    %dma_wait3A_46 = arith.constant 1 : i32
    %dma_wait3A_47 = arith.constant 0 : i32
    %dma_wait3A_48 = arith.constant 0 : i32
    %dma_wait3A_49 = tpu.memref_slice %arg3[%add3A, %dma_wait3A_46, %dma_wait3A_47, %dma_wait3A_48] : memref<32x210x2x96xi32, #tpu.memory_space<hbm>> -> memref<1x1x2x96xi32, #tpu.memory_space<hbm>>
    %dma_wait3A_50 = tpu.memref_squeeze %dma_wait3A_49 : memref<1x1x2x96xi32, #tpu.memory_space<hbm>> -> memref<2x96xi32, #tpu.memory_space<hbm>>
    %dma_wait3A_51 = arith.constant 0 : i32
    %dma_wait3A_52 = arith.constant 0 : i32
    %dma_wait3A_53 = tpu.memref_slice %arg3[%add3A, %dma_wait3A_46, %dma_wait3A_51, %dma_wait3A_52] : memref<32x210x2x96xi32, #tpu.memory_space<hbm>> -> memref<1x1x2x96xi32, #tpu.memory_space<hbm>>
    %dma_wait3A_54 = tpu.memref_squeeze %dma_wait3A_53 : memref<1x1x2x96xi32, #tpu.memory_space<hbm>> -> memref<2x96xi32, #tpu.memory_space<hbm>>
    tpu.wait_dma2 semaphore(%arg13 : memref<!tpu.dma_semaphore, #tpu.memory_space<semaphore_mem>>) src(%dma_wait3A_54 : memref<2x96xi32, #tpu.memory_space<hbm>>) dst(%arg6 : memref<2x96xi32, #tpu.memory_space<vmem>>)
    %dma_start3A_55 = arith.constant 0 : i32
    %dma_start3A_56 = arith.constant 0 : i32
    %dma_start3A_57 = tpu.memref_slice %arg5[%dma_start3A_55, %dma_start3A_56] : memref<2x96xi32, #tpu.memory_space<vmem>> -> memref<1x96xi32, #tpu.memory_space<vmem>>
    %dma_start3A_58 = tpu.memref_squeeze %dma_start3A_57 : memref<1x96xi32, #tpu.memory_space<vmem>> -> memref<96xi32, #tpu.memory_space<vmem>>
    %dma_start3A_59 = arith.constant 0 : i32
    %dma_start3A_60 = arith.constant 0 : i32
    %dma_start3A_61 = tpu.memref_slice %arg2[%dma_start3A_59, %dma_start3A_60] : memref<10000x128xf32, #tpu.memory_space<hbm>> -> memref<10000x128xf32, #tpu.memory_space<hbm>>
    tpu.enqueue_indirect_dma source(%dma_start3A_61 : memref<10000x128xf32, #tpu.memory_space<hbm>>) target(%arg7 : memref<96x128xf32, #tpu.memory_space<vmem>>) offsets(%dma_start3A_58 : memref<96xi32, #tpu.memory_space<vmem>>) semaphore(%arg10 : memref<!tpu.dma_semaphore, #tpu.memory_space<semaphore_mem>>)
    %scan3A_62 = arith.constant 0 : i32
    %scan3A_63 = arith.constant 0 : i32
    %scan3A_64 = arith.constant 103 : i32
    %scan3A_65 = arith.addi %scan3A_63, %scan3A_64 : i32
    %scan3A_66 = arith.constant 1 : i32
    %scan3A_67 = scf.for %scan3A_161 = %scan3A_63 to %scan3A_65 step %scan3A_66 iter_args(%scan3A_162 = %scan3A_62) -> (i32)  : i32 {
      %mul3A_163 = arith.constant 2 : i32
      %mul3A_164 = arith.muli %mul3A_163, %scan3A_161 : i32
      %dma_start3A_165 = arith.constant 0 : i32
      %dma_start3A_166 = arith.constant 0 : i32
      %dma_start3A_167 = tpu.memref_slice %arg6[%dma_start3A_165, %dma_start3A_166] : memref<2x96xi32, #tpu.memory_space<vmem>> -> memref<1x96xi32, #tpu.memory_space<vmem>>
      %dma_start3A_168 = tpu.memref_squeeze %dma_start3A_167 : memref<1x96xi32, #tpu.memory_space<vmem>> -> memref<96xi32, #tpu.memory_space<vmem>>
      %dma_start3A_169 = arith.constant 0 : i32
      %dma_start3A_170 = arith.constant 0 : i32
      %dma_start3A_171 = tpu.memref_slice %arg2[%dma_start3A_169, %dma_start3A_170] : memref<10000x128xf32, #tpu.memory_space<hbm>> -> memref<10000x128xf32, #tpu.memory_space<hbm>>
      tpu.enqueue_indirect_dma source(%dma_start3A_171 : memref<10000x128xf32, #tpu.memory_space<hbm>>) target(%arg8 : memref<96x128xf32, #tpu.memory_space<vmem>>) offsets(%dma_start3A_168 : memref<96xi32, #tpu.memory_space<vmem>>) semaphore(%arg11 : memref<!tpu.dma_semaphore, #tpu.memory_space<semaphore_mem>>)
      %dma_wait3A_172 = arith.constant 0 : i32
      %dma_wait3A_173 = arith.constant 0 : i32
      %dma_wait3A_174 = tpu.memref_slice %arg5[%dma_wait3A_172, %dma_wait3A_173] : memref<2x96xi32, #tpu.memory_space<vmem>> -> memref<1x96xi32, #tpu.memory_space<vmem>>
      %dma_wait3A_175 = tpu.memref_squeeze %dma_wait3A_174 : memref<1x96xi32, #tpu.memory_space<vmem>> -> memref<96xi32, #tpu.memory_space<vmem>>
      %dma_wait3A_176 = arith.constant 0 : i32
      %dma_wait3A_177 = arith.constant 0 : i32
      %dma_wait3A_178 = tpu.memref_slice %arg2[%dma_wait3A_176, %dma_wait3A_177] : memref<10000x128xf32, #tpu.memory_space<hbm>> -> memref<10000x128xf32, #tpu.memory_space<hbm>>
      tpu.wait_indirect_dma semaphore(%arg10 : memref<!tpu.dma_semaphore, #tpu.memory_space<semaphore_mem>>) src(%dma_wait3A_178 : memref<10000x128xf32, #tpu.memory_space<hbm>>) dst(%arg7 : memref<96x128xf32, #tpu.memory_space<vmem>>)
      %run_scoped3A_179 = arith.constant 1 : i32
      "tpu.region"() ({
        %run_scoped3A_232 = tpu.sem_alloc : memref<!tpu.dma_semaphore, #tpu.memory_space<semaphore_mem>>
        %dma_start3A_233 = arith.constant 0 : i32
        %dma_start3A_234 = tpu.memref_slice %arg5[%run_scoped3A_179, %dma_start3A_233] : memref<2x96xi32, #tpu.memory_space<vmem>> -> memref<1x96xi32, #tpu.memory_space<vmem>>
        %dma_start3A_235 = tpu.memref_squeeze %dma_start3A_234 : memref<1x96xi32, #tpu.memory_space<vmem>> -> memref<96xi32, #tpu.memory_space<vmem>>
        %dma_start3A_236 = arith.constant 0 : i32
        %dma_start3A_237 = arith.constant 0 : i32
        %dma_start3A_238 = tpu.memref_slice %arg9[%dma_start3A_236, %dma_start3A_237] : memref<10240x128xf32, #tpu.memory_space<vmem_shared>> -> memref<10240x128xf32, #tpu.memory_space<vmem_shared>>
        tpu.enqueue_indirect_dma source(%arg7 : memref<96x128xf32, #tpu.memory_space<vmem>>) target(%dma_start3A_238 : memref<10240x128xf32, #tpu.memory_space<vmem_shared>>) offsets(%dma_start3A_235 : memref<96xi32, #tpu.memory_space<vmem>>) semaphore(%run_scoped3A_232 : memref<!tpu.dma_semaphore, #tpu.memory_space<semaphore_mem>>) {add = true}
        %dma_wait3A_239 = arith.constant 0 : i32
        %dma_wait3A_240 = tpu.memref_slice %arg5[%run_scoped3A_179, %dma_wait3A_239] : memref<2x96xi32, #tpu.memory_space<vmem>> -> memref<1x96xi32, #tpu.memory_space<vmem>>
        %dma_wait3A_241 = tpu.memref_squeeze %dma_wait3A_240 : memref<1x96xi32, #tpu.memory_space<vmem>> -> memref<96xi32, #tpu.memory_space<vmem>>
        %dma_wait3A_242 = arith.constant 0 : i32
        %dma_wait3A_243 = arith.constant 0 : i32
        %dma_wait3A_244 = tpu.memref_slice %arg9[%dma_wait3A_242, %dma_wait3A_243] : memref<10240x128xf32, #tpu.memory_space<vmem_shared>> -> memref<10240x128xf32, #tpu.memory_space<vmem_shared>>
        tpu.wait_indirect_dma semaphore(%run_scoped3A_232 : memref<!tpu.dma_semaphore, #tpu.memory_space<semaphore_mem>>) src(%arg7 : memref<96x128xf32, #tpu.memory_space<vmem>>) dst(%dma_wait3A_244 : memref<10240x128xf32, #tpu.memory_space<vmem_shared>>)
        tpu.yield
      }) : () -> ()
      %add3A_180 = arith.constant 2 : i32
      %add3A_181 = arith.addi %mul3A_164, %add3A_180 : i32
      %dma_start3A_182 = arith.constant 0 : i32
      %dma_start3A_183 = arith.constant 0 : i32
      %dma_start3A_184 = tpu.memref_slice %arg3[%add3A, %add3A_181, %dma_start3A_182, %dma_start3A_183] : memref<32x210x2x96xi32, #tpu.memory_space<hbm>> -> memref<1x1x2x96xi32, #tpu.memory_space<hbm>>
      %dma_start3A_185 = tpu.memref_squeeze %dma_start3A_184 : memref<1x1x2x96xi32, #tpu.memory_space<hbm>> -> memref<2x96xi32, #tpu.memory_space<hbm>>
      %dma_start3A_186 = arith.constant 0 : i32
      %dma_start3A_187 = arith.constant 0 : i32
      %dma_start3A_188 = tpu.memref_slice %arg3[%add3A, %add3A_181, %dma_start3A_186, %dma_start3A_187] : memref<32x210x2x96xi32, #tpu.memory_space<hbm>> -> memref<1x1x2x96xi32, #tpu.memory_space<hbm>>
      %dma_start3A_189 = tpu.memref_squeeze %dma_start3A_188 : memref<1x1x2x96xi32, #tpu.memory_space<hbm>> -> memref<2x96xi32, #tpu.memory_space<hbm>>
      tpu.enqueue_dma source(%dma_start3A_189 : memref<2x96xi32, #tpu.memory_space<hbm>>) target(%arg5 : memref<2x96xi32, #tpu.memory_space<vmem>>) target_semaphore(%arg12 : memref<!tpu.dma_semaphore, #tpu.memory_space<semaphore_mem>>)
      %dma_wait3A_190 = arith.constant 0 : i32
      %dma_wait3A_191 = arith.constant 0 : i32
      %dma_wait3A_192 = tpu.memref_slice %arg3[%add3A, %add3A_181, %dma_wait3A_190, %dma_wait3A_191] : memref<32x210x2x96xi32, #tpu.memory_space<hbm>> -> memref<1x1x2x96xi32, #tpu.memory_space<hbm>>
      %dma_wait3A_193 = tpu.memref_squeeze %dma_wait3A_192 : memref<1x1x2x96xi32, #tpu.memory_space<hbm>> -> memref<2x96xi32, #tpu.memory_space<hbm>>
      %dma_wait3A_194 = arith.constant 0 : i32
      %dma_wait3A_195 = arith.constant 0 : i32
      %dma_wait3A_196 = tpu.memref_slice %arg3[%add3A, %add3A_181, %dma_wait3A_194, %dma_wait3A_195] : memref<32x210x2x96xi32, #tpu.memory_space<hbm>> -> memref<1x1x2x96xi32, #tpu.memory_space<hbm>>
      %dma_wait3A_197 = tpu.memref_squeeze %dma_wait3A_196 : memref<1x1x2x96xi32, #tpu.memory_space<hbm>> -> memref<2x96xi32, #tpu.memory_space<hbm>>
      tpu.wait_dma2 semaphore(%arg12 : memref<!tpu.dma_semaphore, #tpu.memory_space<semaphore_mem>>) src(%dma_wait3A_197 : memref<2x96xi32, #tpu.memory_space<hbm>>) dst(%arg5 : memref<2x96xi32, #tpu.memory_space<vmem>>)
      %dma_start3A_198 = arith.constant 0 : i32
      %dma_start3A_199 = arith.constant 0 : i32
      %dma_start3A_200 = tpu.memref_slice %arg5[%dma_start3A_198, %dma_start3A_199] : memref<2x96xi32, #tpu.memory_space<vmem>> -> memref<1x96xi32, #tpu.memory_space<vmem>>
      %dma_start3A_201 = tpu.memref_squeeze %dma_start3A_200 : memref<1x96xi32, #tpu.memory_space<vmem>> -> memref<96xi32, #tpu.memory_space<vmem>>
      %dma_start3A_202 = arith.constant 0 : i32
      %dma_start3A_203 = arith.constant 0 : i32
      %dma_start3A_204 = tpu.memref_slice %arg2[%dma_start3A_202, %dma_start3A_203] : memref<10000x128xf32, #tpu.memory_space<hbm>> -> memref<10000x128xf32, #tpu.memory_space<hbm>>
      tpu.enqueue_indirect_dma source(%dma_start3A_204 : memref<10000x128xf32, #tpu.memory_space<hbm>>) target(%arg7 : memref<96x128xf32, #tpu.memory_space<vmem>>) offsets(%dma_start3A_201 : memref<96xi32, #tpu.memory_space<vmem>>) semaphore(%arg10 : memref<!tpu.dma_semaphore, #tpu.memory_space<semaphore_mem>>)
      %dma_wait3A_205 = arith.constant 0 : i32
      %dma_wait3A_206 = arith.constant 0 : i32
      %dma_wait3A_207 = tpu.memref_slice %arg6[%dma_wait3A_205, %dma_wait3A_206] : memref<2x96xi32, #tpu.memory_space<vmem>> -> memref<1x96xi32, #tpu.memory_space<vmem>>
      %dma_wait3A_208 = tpu.memref_squeeze %dma_wait3A_207 : memref<1x96xi32, #tpu.memory_space<vmem>> -> memref<96xi32, #tpu.memory_space<vmem>>
      %dma_wait3A_209 = arith.constant 0 : i32
      %dma_wait3A_210 = arith.constant 0 : i32
      %dma_wait3A_211 = tpu.memref_slice %arg2[%dma_wait3A_209, %dma_wait3A_210] : memref<10000x128xf32, #tpu.memory_space<hbm>> -> memref<10000x128xf32, #tpu.memory_space<hbm>>
      tpu.wait_indirect_dma semaphore(%arg11 : memref<!tpu.dma_semaphore, #tpu.memory_space<semaphore_mem>>) src(%dma_wait3A_211 : memref<10000x128xf32, #tpu.memory_space<hbm>>) dst(%arg8 : memref<96x128xf32, #tpu.memory_space<vmem>>)
      %run_scoped3A_212 = arith.constant 1 : i32
      "tpu.region"() ({
        %run_scoped3A_232 = tpu.sem_alloc : memref<!tpu.dma_semaphore, #tpu.memory_space<semaphore_mem>>
        %dma_start3A_233 = arith.constant 0 : i32
        %dma_start3A_234 = tpu.memref_slice %arg6[%run_scoped3A_212, %dma_start3A_233] : memref<2x96xi32, #tpu.memory_space<vmem>> -> memref<1x96xi32, #tpu.memory_space<vmem>>
        %dma_start3A_235 = tpu.memref_squeeze %dma_start3A_234 : memref<1x96xi32, #tpu.memory_space<vmem>> -> memref<96xi32, #tpu.memory_space<vmem>>
        %dma_start3A_236 = arith.constant 0 : i32
        %dma_start3A_237 = arith.constant 0 : i32
        %dma_start3A_238 = tpu.memref_slice %arg9[%dma_start3A_236, %dma_start3A_237] : memref<10240x128xf32, #tpu.memory_space<vmem_shared>> -> memref<10240x128xf32, #tpu.memory_space<vmem_shared>>
        tpu.enqueue_indirect_dma source(%arg8 : memref<96x128xf32, #tpu.memory_space<vmem>>) target(%dma_start3A_238 : memref<10240x128xf32, #tpu.memory_space<vmem_shared>>) offsets(%dma_start3A_235 : memref<96xi32, #tpu.memory_space<vmem>>) semaphore(%run_scoped3A_232 : memref<!tpu.dma_semaphore, #tpu.memory_space<semaphore_mem>>) {add = true}
        %dma_wait3A_239 = arith.constant 0 : i32
        %dma_wait3A_240 = tpu.memref_slice %arg6[%run_scoped3A_212, %dma_wait3A_239] : memref<2x96xi32, #tpu.memory_space<vmem>> -> memref<1x96xi32, #tpu.memory_space<vmem>>
        %dma_wait3A_241 = tpu.memref_squeeze %dma_wait3A_240 : memref<1x96xi32, #tpu.memory_space<vmem>> -> memref<96xi32, #tpu.memory_space<vmem>>
        %dma_wait3A_242 = arith.constant 0 : i32
        %dma_wait3A_243 = arith.constant 0 : i32
        %dma_wait3A_244 = tpu.memref_slice %arg9[%dma_wait3A_242, %dma_wait3A_243] : memref<10240x128xf32, #tpu.memory_space<vmem_shared>> -> memref<10240x128xf32, #tpu.memory_space<vmem_shared>>
        tpu.wait_indirect_dma semaphore(%run_scoped3A_232 : memref<!tpu.dma_semaphore, #tpu.memory_space<semaphore_mem>>) src(%arg8 : memref<96x128xf32, #tpu.memory_space<vmem>>) dst(%dma_wait3A_244 : memref<10240x128xf32, #tpu.memory_space<vmem_shared>>)
        tpu.yield
      }) : () -> ()
      %add3A_213 = arith.constant 3 : i32
      %add3A_214 = arith.addi %mul3A_164, %add3A_213 : i32
      %dma_start3A_215 = arith.constant 0 : i32
      %dma_start3A_216 = arith.constant 0 : i32
      %dma_start3A_217 = tpu.memref_slice %arg3[%add3A, %add3A_214, %dma_start3A_215, %dma_start3A_216] : memref<32x210x2x96xi32, #tpu.memory_space<hbm>> -> memref<1x1x2x96xi32, #tpu.memory_space<hbm>>
      %dma_start3A_218 = tpu.memref_squeeze %dma_start3A_217 : memref<1x1x2x96xi32, #tpu.memory_space<hbm>> -> memref<2x96xi32, #tpu.memory_space<hbm>>
      %dma_start3A_219 = arith.constant 0 : i32
      %dma_start3A_220 = arith.constant 0 : i32
      %dma_start3A_221 = tpu.memref_slice %arg3[%add3A, %add3A_214, %dma_start3A_219, %dma_start3A_220] : memref<32x210x2x96xi32, #tpu.memory_space<hbm>> -> memref<1x1x2x96xi32, #tpu.memory_space<hbm>>
      %dma_start3A_222 = tpu.memref_squeeze %dma_start3A_221 : memref<1x1x2x96xi32, #tpu.memory_space<hbm>> -> memref<2x96xi32, #tpu.memory_space<hbm>>
      tpu.enqueue_dma source(%dma_start3A_222 : memref<2x96xi32, #tpu.memory_space<hbm>>) target(%arg6 : memref<2x96xi32, #tpu.memory_space<vmem>>) target_semaphore(%arg13 : memref<!tpu.dma_semaphore, #tpu.memory_space<semaphore_mem>>)
      %dma_wait3A_223 = arith.constant 0 : i32
      %dma_wait3A_224 = arith.constant 0 : i32
      %dma_wait3A_225 = tpu.memref_slice %arg3[%add3A, %add3A_214, %dma_wait3A_223, %dma_wait3A_224] : memref<32x210x2x96xi32, #tpu.memory_space<hbm>> -> memref<1x1x2x96xi32, #tpu.memory_space<hbm>>
      %dma_wait3A_226 = tpu.memref_squeeze %dma_wait3A_225 : memref<1x1x2x96xi32, #tpu.memory_space<hbm>> -> memref<2x96xi32, #tpu.memory_space<hbm>>
      %dma_wait3A_227 = arith.constant 0 : i32
      %dma_wait3A_228 = arith.constant 0 : i32
      %dma_wait3A_229 = tpu.memref_slice %arg3[%add3A, %add3A_214, %dma_wait3A_227, %dma_wait3A_228] : memref<32x210x2x96xi32, #tpu.memory_space<hbm>> -> memref<1x1x2x96xi32, #tpu.memory_space<hbm>>
      %dma_wait3A_230 = tpu.memref_squeeze %dma_wait3A_229 : memref<1x1x2x96xi32, #tpu.memory_space<hbm>> -> memref<2x96xi32, #tpu.memory_space<hbm>>
      tpu.wait_dma2 semaphore(%arg13 : memref<!tpu.dma_semaphore, #tpu.memory_space<semaphore_mem>>) src(%dma_wait3A_230 : memref<2x96xi32, #tpu.memory_space<hbm>>) dst(%arg6 : memref<2x96xi32, #tpu.memory_space<vmem>>)
      %scan3A_231 = arith.constant 0 : i32
      scf.yield %scan3A_231 : i32
    }
    %scan3A_68 = arith.constant 103 : i32
    %dma_start3A_69 = arith.constant 0 : i32
    %dma_start3A_70 = arith.constant 0 : i32
    %dma_start3A_71 = tpu.memref_slice %arg6[%dma_start3A_69, %dma_start3A_70] : memref<2x96xi32, #tpu.memory_space<vmem>> -> memref<1x96xi32, #tpu.memory_space<vmem>>
    %dma_start3A_72 = tpu.memref_squeeze %dma_start3A_71 : memref<1x96xi32, #tpu.memory_space<vmem>> -> memref<96xi32, #tpu.memory_space<vmem>>
    %dma_start3A_73 = arith.constant 0 : i32
    %dma_start3A_74 = arith.constant 0 : i32
    %dma_start3A_75 = tpu.memref_slice %arg2[%dma_start3A_73, %dma_start3A_74] : memref<10000x128xf32, #tpu.memory_space<hbm>> -> memref<10000x128xf32, #tpu.memory_space<hbm>>
    tpu.enqueue_indirect_dma source(%dma_start3A_75 : memref<10000x128xf32, #tpu.memory_space<hbm>>) target(%arg8 : memref<96x128xf32, #tpu.memory_space<vmem>>) offsets(%dma_start3A_72 : memref<96xi32, #tpu.memory_space<vmem>>) semaphore(%arg11 : memref<!tpu.dma_semaphore, #tpu.memory_space<semaphore_mem>>)
    %dma_wait3A_76 = arith.constant 0 : i32
    %dma_wait3A_77 = arith.constant 0 : i32
    %dma_wait3A_78 = tpu.memref_slice %arg5[%dma_wait3A_76, %dma_wait3A_77] : memref<2x96xi32, #tpu.memory_space<vmem>> -> memref<1x96xi32, #tpu.memory_space<vmem>>
    %dma_wait3A_79 = tpu.memref_squeeze %dma_wait3A_78 : memref<1x96xi32, #tpu.memory_space<vmem>> -> memref<96xi32, #tpu.memory_space<vmem>>
    %dma_wait3A_80 = arith.constant 0 : i32
    %dma_wait3A_81 = arith.constant 0 : i32
    %dma_wait3A_82 = tpu.memref_slice %arg2[%dma_wait3A_80, %dma_wait3A_81] : memref<10000x128xf32, #tpu.memory_space<hbm>> -> memref<10000x128xf32, #tpu.memory_space<hbm>>
    tpu.wait_indirect_dma semaphore(%arg10 : memref<!tpu.dma_semaphore, #tpu.memory_space<semaphore_mem>>) src(%dma_wait3A_82 : memref<10000x128xf32, #tpu.memory_space<hbm>>) dst(%arg7 : memref<96x128xf32, #tpu.memory_space<vmem>>)
    %run_scoped3A = arith.constant 1 : i32
    "tpu.region"() ({
      %run_scoped3A_161 = tpu.sem_alloc : memref<!tpu.dma_semaphore, #tpu.memory_space<semaphore_mem>>
      %dma_start3A_162 = arith.constant 0 : i32
      %dma_start3A_163 = tpu.memref_slice %arg5[%run_scoped3A, %dma_start3A_162] : memref<2x96xi32, #tpu.memory_space<vmem>> -> memref<1x96xi32, #tpu.memory_space<vmem>>
      %dma_start3A_164 = tpu.memref_squeeze %dma_start3A_163 : memref<1x96xi32, #tpu.memory_space<vmem>> -> memref<96xi32, #tpu.memory_space<vmem>>
      %dma_start3A_165 = arith.constant 0 : i32
      %dma_start3A_166 = arith.constant 0 : i32
      %dma_start3A_167 = tpu.memref_slice %arg9[%dma_start3A_165, %dma_start3A_166] : memref<10240x128xf32, #tpu.memory_space<vmem_shared>> -> memref<10240x128xf32, #tpu.memory_space<vmem_shared>>
      tpu.enqueue_indirect_dma source(%arg7 : memref<96x128xf32, #tpu.memory_space<vmem>>) target(%dma_start3A_167 : memref<10240x128xf32, #tpu.memory_space<vmem_shared>>) offsets(%dma_start3A_164 : memref<96xi32, #tpu.memory_space<vmem>>) semaphore(%run_scoped3A_161 : memref<!tpu.dma_semaphore, #tpu.memory_space<semaphore_mem>>) {add = true}
      %dma_wait3A_168 = arith.constant 0 : i32
      %dma_wait3A_169 = tpu.memref_slice %arg5[%run_scoped3A, %dma_wait3A_168] : memref<2x96xi32, #tpu.memory_space<vmem>> -> memref<1x96xi32, #tpu.memory_space<vmem>>
      %dma_wait3A_170 = tpu.memref_squeeze %dma_wait3A_169 : memref<1x96xi32, #tpu.memory_space<vmem>> -> memref<96xi32, #tpu.memory_space<vmem>>
      %dma_wait3A_171 = arith.constant 0 : i32
      %dma_wait3A_172 = arith.constant 0 : i32
      %dma_wait3A_173 = tpu.memref_slice %arg9[%dma_wait3A_171, %dma_wait3A_172] : memref<10240x128xf32, #tpu.memory_space<vmem_shared>> -> memref<10240x128xf32, #tpu.memory_space<vmem_shared>>
      tpu.wait_indirect_dma semaphore(%run_scoped3A_161 : memref<!tpu.dma_semaphore, #tpu.memory_space<semaphore_mem>>) src(%arg7 : memref<96x128xf32, #tpu.memory_space<vmem>>) dst(%dma_wait3A_173 : memref<10240x128xf32, #tpu.memory_space<vmem_shared>>)
      tpu.yield
    }) : () -> ()
    %dma_start3A_83 = arith.constant 208 : i32
    %dma_start3A_84 = arith.constant 0 : i32
    %dma_start3A_85 = arith.constant 0 : i32
    %dma_start3A_86 = tpu.memref_slice %arg3[%add3A, %dma_start3A_83, %dma_start3A_84, %dma_start3A_85] : memref<32x210x2x96xi32, #tpu.memory_space<hbm>> -> memref<1x1x2x96xi32, #tpu.memory_space<hbm>>
    %dma_start3A_87 = tpu.memref_squeeze %dma_start3A_86 : memref<1x1x2x96xi32, #tpu.memory_space<hbm>> -> memref<2x96xi32, #tpu.memory_space<hbm>>
    %dma_start3A_88 = arith.constant 0 : i32
    %dma_start3A_89 = arith.constant 0 : i32
    %dma_start3A_90 = tpu.memref_slice %arg3[%add3A, %dma_start3A_83, %dma_start3A_88, %dma_start3A_89] : memref<32x210x2x96xi32, #tpu.memory_space<hbm>> -> memref<1x1x2x96xi32, #tpu.memory_space<hbm>>
    %dma_start3A_91 = tpu.memref_squeeze %dma_start3A_90 : memref<1x1x2x96xi32, #tpu.memory_space<hbm>> -> memref<2x96xi32, #tpu.memory_space<hbm>>
    tpu.enqueue_dma source(%dma_start3A_91 : memref<2x96xi32, #tpu.memory_space<hbm>>) target(%arg5 : memref<2x96xi32, #tpu.memory_space<vmem>>) target_semaphore(%arg12 : memref<!tpu.dma_semaphore, #tpu.memory_space<semaphore_mem>>)
    %dma_wait3A_92 = arith.constant 208 : i32
    %dma_wait3A_93 = arith.constant 0 : i32
    %dma_wait3A_94 = arith.constant 0 : i32
    %dma_wait3A_95 = tpu.memref_slice %arg3[%add3A, %dma_wait3A_92, %dma_wait3A_93, %dma_wait3A_94] : memref<32x210x2x96xi32, #tpu.memory_space<hbm>> -> memref<1x1x2x96xi32, #tpu.memory_space<hbm>>
    %dma_wait3A_96 = tpu.memref_squeeze %dma_wait3A_95 : memref<1x1x2x96xi32, #tpu.memory_space<hbm>> -> memref<2x96xi32, #tpu.memory_space<hbm>>
    %dma_wait3A_97 = arith.constant 0 : i32
    %dma_wait3A_98 = arith.constant 0 : i32
    %dma_wait3A_99 = tpu.memref_slice %arg3[%add3A, %dma_wait3A_92, %dma_wait3A_97, %dma_wait3A_98] : memref<32x210x2x96xi32, #tpu.memory_space<hbm>> -> memref<1x1x2x96xi32, #tpu.memory_space<hbm>>
    %dma_wait3A_100 = tpu.memref_squeeze %dma_wait3A_99 : memref<1x1x2x96xi32, #tpu.memory_space<hbm>> -> memref<2x96xi32, #tpu.memory_space<hbm>>
    tpu.wait_dma2 semaphore(%arg12 : memref<!tpu.dma_semaphore, #tpu.memory_space<semaphore_mem>>) src(%dma_wait3A_100 : memref<2x96xi32, #tpu.memory_space<hbm>>) dst(%arg5 : memref<2x96xi32, #tpu.memory_space<vmem>>)
    %dma_start3A_101 = arith.constant 0 : i32
    %dma_start3A_102 = arith.constant 0 : i32
    %dma_start3A_103 = tpu.memref_slice %arg5[%dma_start3A_101, %dma_start3A_102] : memref<2x96xi32, #tpu.memory_space<vmem>> -> memref<1x96xi32, #tpu.memory_space<vmem>>
    %dma_start3A_104 = tpu.memref_squeeze %dma_start3A_103 : memref<1x96xi32, #tpu.memory_space<vmem>> -> memref<96xi32, #tpu.memory_space<vmem>>
    %dma_start3A_105 = arith.constant 0 : i32
    %dma_start3A_106 = arith.constant 0 : i32
    %dma_start3A_107 = tpu.memref_slice %arg2[%dma_start3A_105, %dma_start3A_106] : memref<10000x128xf32, #tpu.memory_space<hbm>> -> memref<10000x128xf32, #tpu.memory_space<hbm>>
    tpu.enqueue_indirect_dma source(%dma_start3A_107 : memref<10000x128xf32, #tpu.memory_space<hbm>>) target(%arg7 : memref<96x128xf32, #tpu.memory_space<vmem>>) offsets(%dma_start3A_104 : memref<96xi32, #tpu.memory_space<vmem>>) semaphore(%arg10 : memref<!tpu.dma_semaphore, #tpu.memory_space<semaphore_mem>>)
    %dma_wait3A_108 = arith.constant 0 : i32
    %dma_wait3A_109 = arith.constant 0 : i32
    %dma_wait3A_110 = tpu.memref_slice %arg6[%dma_wait3A_108, %dma_wait3A_109] : memref<2x96xi32, #tpu.memory_space<vmem>> -> memref<1x96xi32, #tpu.memory_space<vmem>>
    %dma_wait3A_111 = tpu.memref_squeeze %dma_wait3A_110 : memref<1x96xi32, #tpu.memory_space<vmem>> -> memref<96xi32, #tpu.memory_space<vmem>>
    %dma_wait3A_112 = arith.constant 0 : i32
    %dma_wait3A_113 = arith.constant 0 : i32
    %dma_wait3A_114 = tpu.memref_slice %arg2[%dma_wait3A_112, %dma_wait3A_113] : memref<10000x128xf32, #tpu.memory_space<hbm>> -> memref<10000x128xf32, #tpu.memory_space<hbm>>
    tpu.wait_indirect_dma semaphore(%arg11 : memref<!tpu.dma_semaphore, #tpu.memory_space<semaphore_mem>>) src(%dma_wait3A_114 : memref<10000x128xf32, #tpu.memory_space<hbm>>) dst(%arg8 : memref<96x128xf32, #tpu.memory_space<vmem>>)
    %run_scoped3A_115 = arith.constant 1 : i32
    "tpu.region"() ({
      %run_scoped3A_161 = tpu.sem_alloc : memref<!tpu.dma_semaphore, #tpu.memory_space<semaphore_mem>>
      %dma_start3A_162 = arith.constant 0 : i32
      %dma_start3A_163 = tpu.memref_slice %arg6[%run_scoped3A_115, %dma_start3A_162] : memref<2x96xi32, #tpu.memory_space<vmem>> -> memref<1x96xi32, #tpu.memory_space<vmem>>
      %dma_start3A_164 = tpu.memref_squeeze %dma_start3A_163 : memref<1x96xi32, #tpu.memory_space<vmem>> -> memref<96xi32, #tpu.memory_space<vmem>>
      %dma_start3A_165 = arith.constant 0 : i32
      %dma_start3A_166 = arith.constant 0 : i32
      %dma_start3A_167 = tpu.memref_slice %arg9[%dma_start3A_165, %dma_start3A_166] : memref<10240x128xf32, #tpu.memory_space<vmem_shared>> -> memref<10240x128xf32, #tpu.memory_space<vmem_shared>>
      tpu.enqueue_indirect_dma source(%arg8 : memref<96x128xf32, #tpu.memory_space<vmem>>) target(%dma_start3A_167 : memref<10240x128xf32, #tpu.memory_space<vmem_shared>>) offsets(%dma_start3A_164 : memref<96xi32, #tpu.memory_space<vmem>>) semaphore(%run_scoped3A_161 : memref<!tpu.dma_semaphore, #tpu.memory_space<semaphore_mem>>) {add = true}
      %dma_wait3A_168 = arith.constant 0 : i32
      %dma_wait3A_169 = tpu.memref_slice %arg6[%run_scoped3A_115, %dma_wait3A_168] : memref<2x96xi32, #tpu.memory_space<vmem>> -> memref<1x96xi32, #tpu.memory_space<vmem>>
      %dma_wait3A_170 = tpu.memref_squeeze %dma_wait3A_169 : memref<1x96xi32, #tpu.memory_space<vmem>> -> memref<96xi32, #tpu.memory_space<vmem>>
      %dma_wait3A_171 = arith.constant 0 : i32
      %dma_wait3A_172 = arith.constant 0 : i32
      %dma_wait3A_173 = tpu.memref_slice %arg9[%dma_wait3A_171, %dma_wait3A_172] : memref<10240x128xf32, #tpu.memory_space<vmem_shared>> -> memref<10240x128xf32, #tpu.memory_space<vmem_shared>>
      tpu.wait_indirect_dma semaphore(%run_scoped3A_161 : memref<!tpu.dma_semaphore, #tpu.memory_space<semaphore_mem>>) src(%arg8 : memref<96x128xf32, #tpu.memory_space<vmem>>) dst(%dma_wait3A_173 : memref<10240x128xf32, #tpu.memory_space<vmem_shared>>)
      tpu.yield
    }) : () -> ()
    %dma_start3A_116 = arith.constant 209 : i32
    %dma_start3A_117 = arith.constant 0 : i32
    %dma_start3A_118 = arith.constant 0 : i32
    %dma_start3A_119 = tpu.memref_slice %arg3[%add3A, %dma_start3A_116, %dma_start3A_117, %dma_start3A_118] : memref<32x210x2x96xi32, #tpu.memory_space<hbm>> -> memref<1x1x2x96xi32, #tpu.memory_space<hbm>>
    %dma_start3A_120 = tpu.memref_squeeze %dma_start3A_119 : memref<1x1x2x96xi32, #tpu.memory_space<hbm>> -> memref<2x96xi32, #tpu.memory_space<hbm>>
    %dma_start3A_121 = arith.constant 0 : i32
    %dma_start3A_122 = arith.constant 0 : i32
    %dma_start3A_123 = tpu.memref_slice %arg3[%add3A, %dma_start3A_116, %dma_start3A_121, %dma_start3A_122] : memref<32x210x2x96xi32, #tpu.memory_space<hbm>> -> memref<1x1x2x96xi32, #tpu.memory_space<hbm>>
    %dma_start3A_124 = tpu.memref_squeeze %dma_start3A_123 : memref<1x1x2x96xi32, #tpu.memory_space<hbm>> -> memref<2x96xi32, #tpu.memory_space<hbm>>
    tpu.enqueue_dma source(%dma_start3A_124 : memref<2x96xi32, #tpu.memory_space<hbm>>) target(%arg6 : memref<2x96xi32, #tpu.memory_space<vmem>>) target_semaphore(%arg13 : memref<!tpu.dma_semaphore, #tpu.memory_space<semaphore_mem>>)
    %dma_wait3A_125 = arith.constant 209 : i32
    %dma_wait3A_126 = arith.constant 0 : i32
    %dma_wait3A_127 = arith.constant 0 : i32
    %dma_wait3A_128 = tpu.memref_slice %arg3[%add3A, %dma_wait3A_125, %dma_wait3A_126, %dma_wait3A_127] : memref<32x210x2x96xi32, #tpu.memory_space<hbm>> -> memref<1x1x2x96xi32, #tpu.memory_space<hbm>>
    %dma_wait3A_129 = tpu.memref_squeeze %dma_wait3A_128 : memref<1x1x2x96xi32, #tpu.memory_space<hbm>> -> memref<2x96xi32, #tpu.memory_space<hbm>>
    %dma_wait3A_130 = arith.constant 0 : i32
    %dma_wait3A_131 = arith.constant 0 : i32
    %dma_wait3A_132 = tpu.memref_slice %arg3[%add3A, %dma_wait3A_125, %dma_wait3A_130, %dma_wait3A_131] : memref<32x210x2x96xi32, #tpu.memory_space<hbm>> -> memref<1x1x2x96xi32, #tpu.memory_space<hbm>>
    %dma_wait3A_133 = tpu.memref_squeeze %dma_wait3A_132 : memref<1x1x2x96xi32, #tpu.memory_space<hbm>> -> memref<2x96xi32, #tpu.memory_space<hbm>>
    tpu.wait_dma2 semaphore(%arg13 : memref<!tpu.dma_semaphore, #tpu.memory_space<semaphore_mem>>) src(%dma_wait3A_133 : memref<2x96xi32, #tpu.memory_space<hbm>>) dst(%arg6 : memref<2x96xi32, #tpu.memory_space<vmem>>)
    %dma_wait3A_134 = arith.constant 0 : i32
    %dma_wait3A_135 = arith.constant 0 : i32
    %dma_wait3A_136 = tpu.memref_slice %arg5[%dma_wait3A_134, %dma_wait3A_135] : memref<2x96xi32, #tpu.memory_space<vmem>> -> memref<1x96xi32, #tpu.memory_space<vmem>>
    %dma_wait3A_137 = tpu.memref_squeeze %dma_wait3A_136 : memref<1x96xi32, #tpu.memory_space<vmem>> -> memref<96xi32, #tpu.memory_space<vmem>>
    %dma_wait3A_138 = arith.constant 0 : i32
    %dma_wait3A_139 = arith.constant 0 : i32
    %dma_wait3A_140 = tpu.memref_slice %arg2[%dma_wait3A_138, %dma_wait3A_139] : memref<10000x128xf32, #tpu.memory_space<hbm>> -> memref<10000x128xf32, #tpu.memory_space<hbm>>
    tpu.wait_indirect_dma semaphore(%arg10 : memref<!tpu.dma_semaphore, #tpu.memory_space<semaphore_mem>>) src(%dma_wait3A_140 : memref<10000x128xf32, #tpu.memory_space<hbm>>) dst(%arg7 : memref<96x128xf32, #tpu.memory_space<vmem>>)
    %dma_start3A_141 = arith.constant 0 : i32
    %dma_start3A_142 = arith.constant 0 : i32
    %dma_start3A_143 = tpu.memref_slice %arg6[%dma_start3A_141, %dma_start3A_142] : memref<2x96xi32, #tpu.memory_space<vmem>> -> memref<1x96xi32, #tpu.memory_space<vmem>>
    %dma_start3A_144 = tpu.memref_squeeze %dma_start3A_143 : memref<1x96xi32, #tpu.memory_space<vmem>> -> memref<96xi32, #tpu.memory_space<vmem>>
    %dma_start3A_145 = arith.constant 0 : i32
    %dma_start3A_146 = arith.constant 0 : i32
    %dma_start3A_147 = tpu.memref_slice %arg2[%dma_start3A_145, %dma_start3A_146] : memref<10000x128xf32, #tpu.memory_space<hbm>> -> memref<10000x128xf32, #tpu.memory_space<hbm>>
    tpu.enqueue_indirect_dma source(%dma_start3A_147 : memref<10000x128xf32, #tpu.memory_space<hbm>>) target(%arg8 : memref<96x128xf32, #tpu.memory_space<vmem>>) offsets(%dma_start3A_144 : memref<96xi32, #tpu.memory_space<vmem>>) semaphore(%arg11 : memref<!tpu.dma_semaphore, #tpu.memory_space<semaphore_mem>>)
    %run_scoped3A_148 = arith.constant 1 : i32
    "tpu.region"() ({
      %run_scoped3A_161 = tpu.sem_alloc : memref<!tpu.dma_semaphore, #tpu.memory_space<semaphore_mem>>
      %dma_start3A_162 = arith.constant 0 : i32
      %dma_start3A_163 = tpu.memref_slice %arg5[%run_scoped3A_148, %dma_start3A_162] : memref<2x96xi32, #tpu.memory_space<vmem>> -> memref<1x96xi32, #tpu.memory_space<vmem>>
      %dma_start3A_164 = tpu.memref_squeeze %dma_start3A_163 : memref<1x96xi32, #tpu.memory_space<vmem>> -> memref<96xi32, #tpu.memory_space<vmem>>
      %dma_start3A_165 = arith.constant 0 : i32
      %dma_start3A_166 = arith.constant 0 : i32
      %dma_start3A_167 = tpu.memref_slice %arg9[%dma_start3A_165, %dma_start3A_166] : memref<10240x128xf32, #tpu.memory_space<vmem_shared>> -> memref<10240x128xf32, #tpu.memory_space<vmem_shared>>
      tpu.enqueue_indirect_dma source(%arg7 : memref<96x128xf32, #tpu.memory_space<vmem>>) target(%dma_start3A_167 : memref<10240x128xf32, #tpu.memory_space<vmem_shared>>) offsets(%dma_start3A_164 : memref<96xi32, #tpu.memory_space<vmem>>) semaphore(%run_scoped3A_161 : memref<!tpu.dma_semaphore, #tpu.memory_space<semaphore_mem>>) {add = true}
      %dma_wait3A_168 = arith.constant 0 : i32
      %dma_wait3A_169 = tpu.memref_slice %arg5[%run_scoped3A_148, %dma_wait3A_168] : memref<2x96xi32, #tpu.memory_space<vmem>> -> memref<1x96xi32, #tpu.memory_space<vmem>>
      %dma_wait3A_170 = tpu.memref_squeeze %dma_wait3A_169 : memref<1x96xi32, #tpu.memory_space<vmem>> -> memref<96xi32, #tpu.memory_space<vmem>>
      %dma_wait3A_171 = arith.constant 0 : i32
      %dma_wait3A_172 = arith.constant 0 : i32
      %dma_wait3A_173 = tpu.memref_slice %arg9[%dma_wait3A_171, %dma_wait3A_172] : memref<10240x128xf32, #tpu.memory_space<vmem_shared>> -> memref<10240x128xf32, #tpu.memory_space<vmem_shared>>
      tpu.wait_indirect_dma semaphore(%run_scoped3A_161 : memref<!tpu.dma_semaphore, #tpu.memory_space<semaphore_mem>>) src(%arg7 : memref<96x128xf32, #tpu.memory_space<vmem>>) dst(%dma_wait3A_173 : memref<10240x128xf32, #tpu.memory_space<vmem_shared>>)
      tpu.yield
    }) : () -> ()
    %dma_wait3A_149 = arith.constant 0 : i32
    %dma_wait3A_150 = arith.constant 0 : i32
    %dma_wait3A_151 = tpu.memref_slice %arg6[%dma_wait3A_149, %dma_wait3A_150] : memref<2x96xi32, #tpu.memory_space<vmem>> -> memref<1x96xi32, #tpu.memory_space<vmem>>
    %dma_wait3A_152 = tpu.memref_squeeze %dma_wait3A_151 : memref<1x96xi32, #tpu.memory_space<vmem>> -> memref<96xi32, #tpu.memory_space<vmem>>
    %dma_wait3A_153 = arith.constant 0 : i32
    %dma_wait3A_154 = arith.constant 0 : i32
    %dma_wait3A_155 = tpu.memref_slice %arg2[%dma_wait3A_153, %dma_wait3A_154] : memref<10000x128xf32, #tpu.memory_space<hbm>> -> memref<10000x128xf32, #tpu.memory_space<hbm>>
    tpu.wait_indirect_dma semaphore(%arg11 : memref<!tpu.dma_semaphore, #tpu.memory_space<semaphore_mem>>) src(%dma_wait3A_155 : memref<10000x128xf32, #tpu.memory_space<hbm>>) dst(%arg8 : memref<96x128xf32, #tpu.memory_space<vmem>>)
    %run_scoped3A_156 = arith.constant 1 : i32
    "tpu.region"() ({
      %run_scoped3A_161 = tpu.sem_alloc : memref<!tpu.dma_semaphore, #tpu.memory_space<semaphore_mem>>
      %dma_start3A_162 = arith.constant 0 : i32
      %dma_start3A_163 = tpu.memref_slice %arg6[%run_scoped3A_156, %dma_start3A_162] : memref<2x96xi32, #tpu.memory_space<vmem>> -> memref<1x96xi32, #tpu.memory_space<vmem>>
      %dma_start3A_164 = tpu.memref_squeeze %dma_start3A_163 : memref<1x96xi32, #tpu.memory_space<vmem>> -> memref<96xi32, #tpu.memory_space<vmem>>
      %dma_start3A_165 = arith.constant 0 : i32
      %dma_start3A_166 = arith.constant 0 : i32
      %dma_start3A_167 = tpu.memref_slice %arg9[%dma_start3A_165, %dma_start3A_166] : memref<10240x128xf32, #tpu.memory_space<vmem_shared>> -> memref<10240x128xf32, #tpu.memory_space<vmem_shared>>
      tpu.enqueue_indirect_dma source(%arg8 : memref<96x128xf32, #tpu.memory_space<vmem>>) target(%dma_start3A_167 : memref<10240x128xf32, #tpu.memory_space<vmem_shared>>) offsets(%dma_start3A_164 : memref<96xi32, #tpu.memory_space<vmem>>) semaphore(%run_scoped3A_161 : memref<!tpu.dma_semaphore, #tpu.memory_space<semaphore_mem>>) {add = true}
      %dma_wait3A_168 = arith.constant 0 : i32
      %dma_wait3A_169 = tpu.memref_slice %arg6[%run_scoped3A_156, %dma_wait3A_168] : memref<2x96xi32, #tpu.memory_space<vmem>> -> memref<1x96xi32, #tpu.memory_space<vmem>>
      %dma_wait3A_170 = tpu.memref_squeeze %dma_wait3A_169 : memref<1x96xi32, #tpu.memory_space<vmem>> -> memref<96xi32, #tpu.memory_space<vmem>>
      %dma_wait3A_171 = arith.constant 0 : i32
      %dma_wait3A_172 = arith.constant 0 : i32
      %dma_wait3A_173 = tpu.memref_slice %arg9[%dma_wait3A_171, %dma_wait3A_172] : memref<10240x128xf32, #tpu.memory_space<vmem_shared>> -> memref<10240x128xf32, #tpu.memory_space<vmem_shared>>
      tpu.wait_indirect_dma semaphore(%run_scoped3A_161 : memref<!tpu.dma_semaphore, #tpu.memory_space<semaphore_mem>>) src(%arg8 : memref<96x128xf32, #tpu.memory_space<vmem>>) dst(%dma_wait3A_173 : memref<10240x128xf32, #tpu.memory_space<vmem_shared>>)
      tpu.yield
    }) : () -> ()
    %barrier3A_157 = arith.constant 0 : index
    tpu.barrier barrier_id(%barrier3A_157)
    %mul3A_158 = arith.constant 10240 : i32
    %mul3A_159 = arith.muli %arg0, %mul3A_158 : i32
    %add3A_160 = arith.addi %mul3A_159, %mul3A_8 : i32
    "tpu.region"() ({
      %run_scoped3A_161 = tpu.sem_alloc : memref<!tpu.dma_semaphore, #tpu.memory_space<semaphore_mem>>
      %dma_start3A_162 = arith.constant 0 : i32
      %dma_start3A_163 = tpu.memref_slice %arg4[%add3A_160, %dma_start3A_162] : memref<20480x128xf32, #tpu.memory_space<hbm>> -> memref<640x128xf32, #tpu.memory_space<hbm>>
      %dma_start3A_164 = arith.constant 0 : i32
      %dma_start3A_165 = tpu.memref_slice %arg9[%mul3A_8, %dma_start3A_164] : memref<10240x128xf32, #tpu.memory_space<vmem_shared>> -> memref<640x128xf32, #tpu.memory_space<vmem_shared>>
      tpu.enqueue_dma source(%dma_start3A_165 : memref<640x128xf32, #tpu.memory_space<vmem_shared>>) target(%dma_start3A_163 : memref<640x128xf32, #tpu.memory_space<hbm>>) target_semaphore(%run_scoped3A_161 : memref<!tpu.dma_semaphore, #tpu.memory_space<semaphore_mem>>)
      %dma_wait3A_166 = arith.constant 0 : i32
      %dma_wait3A_167 = tpu.memref_slice %arg4[%add3A_160, %dma_wait3A_166] : memref<20480x128xf32, #tpu.memory_space<hbm>> -> memref<640x128xf32, #tpu.memory_space<hbm>>
      %dma_wait3A_168 = arith.constant 0 : i32
      %dma_wait3A_169 = tpu.memref_slice %arg9[%mul3A_8, %dma_wait3A_168] : memref<10240x128xf32, #tpu.memory_space<vmem_shared>> -> memref<640x128xf32, #tpu.memory_space<vmem_shared>>
      tpu.wait_dma2 semaphore(%run_scoped3A_161 : memref<!tpu.dma_semaphore, #tpu.memory_space<semaphore_mem>>) src(%dma_wait3A_169 : memref<640x128xf32, #tpu.memory_space<vmem_shared>>) dst(%dma_wait3A_167 : memref<640x128xf32, #tpu.memory_space<hbm>>)
      tpu.yield
    }) : () -> ()
    return
  }
}

module attributes {stable_mosaic.version = 14 : i64} {
  func.func @_x1_body(%arg0: i32, %arg1: memref<2000x60xf32, #tpu.memory_space<vmem>>, %arg2: memref<60x128xf32, #tpu.memory_space<vmem>>, %arg3: memref<1x128xf32, #tpu.memory_space<vmem>>, %arg4: memref<2000x128xf32, #tpu.memory_space<vmem>>) attributes {dimension_semantics = [#tpu.dimension_semantics<arbitrary>], iteration_bounds = array<i64: 5>, scalar_prefetch = 0 : i64, scratch_operands = 0 : i64, tpu.core_type = #tpu.core_type<tc>, window_params = [{transform_indices = @transform_0, window_bounds = array<i64: 2000, 60>}, {pipeline_mode = #tpu.pipeline_mode<synchronous>, transform_indices = @transform_1, window_bounds = array<i64: 60, 128>}, {pipeline_mode = #tpu.pipeline_mode<synchronous>, transform_indices = @transform_2, window_bounds = array<i64: 1, 128>}, {transform_indices = @transform_3, window_bounds = array<i64: 2000, 128>}]} {
    %get3A = arith.constant 0 : index
    %get3A_0 = arith.constant 0 : index
    %get3A_1 = vector.load %arg1[%get3A, %get3A_0] : memref<2000x60xf32, #tpu.memory_space<vmem>>, vector<2000x60xf32>
    %get3A_2 = arith.constant 0 : index
    %get3A_3 = arith.constant 0 : index
    %get3A_4 = vector.load %arg2[%get3A_2, %get3A_3] : memref<60x128xf32, #tpu.memory_space<vmem>>, vector<60x128xf32>
    %dot_general3A = arith.constant dense<0.000000e+00> : vector<2000x128xf32>
    %dot_general3A_5 = tpu.matmul %get3A_1, %get3A_4, %dot_general3A {dimension_numbers = #tpu.dot_dimension_numbers<[1], [0], [0], [1], [0, 0, 1, 1], [], []>, transpose_lhs_hint = false} : vector<2000x60xf32>, vector<60x128xf32>, vector<2000x128xf32> -> vector<2000x128xf32>
    %get3A_6 = arith.constant 0 : index
    %get3A_7 = arith.constant 0 : index
    %get3A_8 = vector.load %arg3[%get3A_6, %get3A_7] : memref<1x128xf32, #tpu.memory_space<vmem>>, vector<1x128xf32>
    %add3A = vector.broadcast %get3A_8 : vector<1x128xf32> to vector<2000x128xf32>
    %add3A_9 = arith.addf %dot_general3A_5, %add3A : vector<2000x128xf32>
    %ge3A = arith.constant 0.000000e+00 : f32
    %ge3A_10 = vector.broadcast %ge3A : f32 to vector<2000x128xf32>
    %ge3A_11 = arith.cmpf oge, %add3A_9, %ge3A_10 : vector<2000x128xf32>
    %mul3A = arith.constant 0.00999999977 : f32
    %mul3A_12 = vector.broadcast %mul3A : f32 to vector<2000x128xf32>
    %mul3A_13 = arith.mulf %mul3A_12, %add3A_9 : vector<2000x128xf32>
    %select_n3A = arith.select %ge3A_11, %add3A_9, %mul3A_13 : vector<2000x128xi1>, vector<2000x128xf32>
    %swap3A = arith.constant 0 : index
    %swap3A_14 = arith.constant 0 : index
    %swap3A_15 = vector.load %arg4[%swap3A, %swap3A_14] : memref<2000x128xf32, #tpu.memory_space<vmem>>, vector<2000x128xf32>
    tpu.vector_store %arg4[%swap3A, %swap3A_14], %select_n3A {strides = array<i32>} : memref<2000x128xf32, #tpu.memory_space<vmem>>, vector<2000x128xf32>,
    return
  }
  func.func @transform_0(%arg0: i32) -> (i32, i32) {
    %c0_i32 = arith.constant 0 : i32
    %c0_i32_0 = arith.constant 0 : i32
    return %arg0, %c0_i32 : i32, i32
  }
  func.func @transform_1(%arg0: i32) -> (i32, i32) {
    %c0_i32 = arith.constant 0 : i32
    %c0_i32_0 = arith.constant 0 : i32
    %c0_i32_1 = arith.constant 0 : i32
    return %c0_i32, %c0_i32_0 : i32, i32
  }
  func.func @transform_2(%arg0: i32) -> (i32, i32) {
    %c0_i32 = arith.constant 0 : i32
    %c0_i32_0 = arith.constant 0 : i32
    %c0_i32_1 = arith.constant 0 : i32
    return %c0_i32, %c0_i32_0 : i32, i32
  }
  func.func @transform_3(%arg0: i32) -> (i32, i32) {
    %c0_i32 = arith.constant 0 : i32
    %c0_i32_0 = arith.constant 0 : i32
    return %arg0, %c0_i32 : i32, i32
  }
}

module attributes {stable_mosaic.version = 14 : i64} {
  func.func @_dense_body(%arg0: i32, %arg1: memref<2000x30xf32, #tpu.memory_space<vmem>>, %arg2: memref<2000x128xf32, #tpu.memory_space<vmem>>, %arg3: memref<2000x128xf32, #tpu.memory_space<vmem>>, %arg4: memref<2000x128xf32, #tpu.memory_space<vmem>>, %arg5: memref<1x1xf32, #tpu.memory_space<vmem>>, %arg6: memref<128x60xf32, #tpu.memory_space<vmem>>, %arg7: memref<1x60xf32, #tpu.memory_space<vmem>>, %arg8: memref<60x30xf32, #tpu.memory_space<vmem>>, %arg9: memref<1x30xf32, #tpu.memory_space<vmem>>, %arg10: memref<30x320xf32, #tpu.memory_space<vmem>>, %arg11: memref<30x320xf32, #tpu.memory_space<vmem>>, %arg12: memref<1x320xf32, #tpu.memory_space<vmem>>, %arg13: memref<64x4xf32, #tpu.memory_space<vmem>>, %arg14: memref<1x4xf32, #tpu.memory_space<vmem>>, %arg15: memref<4x64xf32, #tpu.memory_space<vmem>>, %arg16: memref<1x64xf32, #tpu.memory_space<vmem>>, %arg17: memref<10x5xf32, #tpu.memory_space<vmem>>, %arg18: memref<1x5xf32, #tpu.memory_space<vmem>>, %arg19: memref<320x256xbf16, #tpu.memory_space<vmem>>, %arg20: memref<1x256xf32, #tpu.memory_space<vmem>>, %arg21: memref<128x8xf32, #tpu.memory_space<vmem>>, %arg22: memref<1x8xf32, #tpu.memory_space<vmem>>, %arg23: memref<8x128xf32, #tpu.memory_space<vmem>>, %arg24: memref<1x128xf32, #tpu.memory_space<vmem>>, %arg25: memref<4x2xf32, #tpu.memory_space<vmem>>, %arg26: memref<1x2xf32, #tpu.memory_space<vmem>>, %arg27: memref<256x256xbf16, #tpu.memory_space<vmem>>, %arg28: memref<1x256xf32, #tpu.memory_space<vmem>>, %arg29: memref<256x16xf32, #tpu.memory_space<vmem>>, %arg30: memref<1x16xf32, #tpu.memory_space<vmem>>, %arg31: memref<16x256xf32, #tpu.memory_space<vmem>>, %arg32: memref<1x256xf32, #tpu.memory_space<vmem>>, %arg33: memref<2x1xf32, #tpu.memory_space<vmem>>, %arg34: memref<1x1xf32, #tpu.memory_space<vmem>>, %arg35: memref<256x64xbf16, #tpu.memory_space<vmem>>, %arg36: memref<1x64xf32, #tpu.memory_space<vmem>>, %arg37: memref<2000x64xf32, #tpu.memory_space<vmem>>) attributes {dimension_semantics = [#tpu.dimension_semantics<arbitrary>], iteration_bounds = array<i64: 5>, scalar_prefetch = 0 : i64, scratch_operands = 0 : i64, tpu.core_type = #tpu.core_type<tc>, window_params = [{transform_indices = @transform_0, window_bounds = array<i64: 2000, 30>}, {transform_indices = @transform_1, window_bounds = array<i64: 2000, 128>}, {transform_indices = @transform_2, window_bounds = array<i64: 2000, 128>}, {transform_indices = @transform_3, window_bounds = array<i64: 2000, 128>}, {pipeline_mode = #tpu.pipeline_mode<synchronous>, transform_indices = @transform_4, window_bounds = array<i64: 1, 1>}, {pipeline_mode = #tpu.pipeline_mode<synchronous>, transform_indices = @transform_5, window_bounds = array<i64: 128, 60>}, {pipeline_mode = #tpu.pipeline_mode<synchronous>, transform_indices = @transform_6, window_bounds = array<i64: 1, 60>}, {pipeline_mode = #tpu.pipeline_mode<synchronous>, transform_indices = @transform_7, window_bounds = array<i64: 60, 30>}, {pipeline_mode = #tpu.pipeline_mode<synchronous>, transform_indices = @transform_8, window_bounds = array<i64: 1, 30>}, {pipeline_mode = #tpu.pipeline_mode<synchronous>, transform_indices = @transform_9, window_bounds = array<i64: 30, 320>}, {pipeline_mode = #tpu.pipeline_mode<synchronous>, transform_indices = @transform_10, window_bounds = array<i64: 30, 320>}, {pipeline_mode = #tpu.pipeline_mode<synchronous>, transform_indices = @transform_11, window_bounds = array<i64: 1, 320>}, {pipeline_mode = #tpu.pipeline_mode<synchronous>, transform_indices = @transform_12, window_bounds = array<i64: 64, 4>}, {pipeline_mode = #tpu.pipeline_mode<synchronous>, transform_indices = @transform_13, window_bounds = array<i64: 1, 4>}, {pipeline_mode = #tpu.pipeline_mode<synchronous>, transform_indices = @transform_14, window_bounds = array<i64: 4, 64>}, {pipeline_mode = #tpu.pipeline_mode<synchronous>, transform_indices = @transform_15, window_bounds = array<i64: 1, 64>}, {pipeline_mode = #tpu.pipeline_mode<synchronous>, transform_indices = @transform_16, window_bounds = array<i64: 10, 5>}, {pipeline_mode = #tpu.pipeline_mode<synchronous>, transform_indices = @transform_17, window_bounds = array<i64: 1, 5>}, {pipeline_mode = #tpu.pipeline_mode<synchronous>, transform_indices = @transform_18, window_bounds = array<i64: 320, 256>}, {pipeline_mode = #tpu.pipeline_mode<synchronous>, transform_indices = @transform_19, window_bounds = array<i64: 1, 256>}, {pipeline_mode = #tpu.pipeline_mode<synchronous>, transform_indices = @transform_20, window_bounds = array<i64: 128, 8>}, {pipeline_mode = #tpu.pipeline_mode<synchronous>, transform_indices = @transform_21, window_bounds = array<i64: 1, 8>}, {pipeline_mode = #tpu.pipeline_mode<synchronous>, transform_indices = @transform_22, window_bounds = array<i64: 8, 128>}, {pipeline_mode = #tpu.pipeline_mode<synchronous>, transform_indices = @transform_23, window_bounds = array<i64: 1, 128>}, {pipeline_mode = #tpu.pipeline_mode<synchronous>, transform_indices = @transform_24, window_bounds = array<i64: 4, 2>}, {pipeline_mode = #tpu.pipeline_mode<synchronous>, transform_indices = @transform_25, window_bounds = array<i64: 1, 2>}, {pipeline_mode = #tpu.pipeline_mode<synchronous>, transform_indices = @transform_26, window_bounds = array<i64: 256, 256>}, {pipeline_mode = #tpu.pipeline_mode<synchronous>, transform_indices = @transform_27, window_bounds = array<i64: 1, 256>}, {pipeline_mode = #tpu.pipeline_mode<synchronous>, transform_indices = @transform_28, window_bounds = array<i64: 256, 16>}, {pipeline_mode = #tpu.pipeline_mode<synchronous>, transform_indices = @transform_29, window_bounds = array<i64: 1, 16>}, {pipeline_mode = #tpu.pipeline_mode<synchronous>, transform_indices = @transform_30, window_bounds = array<i64: 16, 256>}, {pipeline_mode = #tpu.pipeline_mode<synchronous>, transform_indices = @transform_31, window_bounds = array<i64: 1, 256>}, {pipeline_mode = #tpu.pipeline_mode<synchronous>, transform_indices = @transform_32, window_bounds = array<i64: 2, 1>}, {pipeline_mode = #tpu.pipeline_mode<synchronous>, transform_indices = @transform_33, window_bounds = array<i64: 1, 1>}, {pipeline_mode = #tpu.pipeline_mode<synchronous>, transform_indices = @transform_34, window_bounds = array<i64: 256, 64>}, {pipeline_mode = #tpu.pipeline_mode<synchronous>, transform_indices = @transform_35, window_bounds = array<i64: 1, 64>}, {transform_indices = @transform_36, window_bounds = array<i64: 2000, 64>}]} {
    %get3A = arith.constant 0 : index
    %get3A_0 = arith.constant 0 : index
    %get3A_1 = vector.load %arg2[%get3A, %get3A_0] : memref<2000x128xf32, #tpu.memory_space<vmem>>, vector<2000x128xf32>
    %get3A_2 = arith.constant 0 : index
    %get3A_3 = arith.constant 0 : index
    %get3A_4 = vector.load %arg5[%get3A_2, %get3A_3] : memref<1x1xf32, #tpu.memory_space<vmem>>, vector<1x1xf32>
    %get3A_5 = vector.extract %get3A_4[0, 0] : f32 from vector<1x1xf32>
    %mul3A = vector.broadcast %get3A_5 : f32 to vector<2000x128xf32>
    %mul3A_6 = arith.mulf %get3A_1, %mul3A : vector<2000x128xf32>
    %get3A_7 = arith.constant 0 : index
    %get3A_8 = arith.constant 0 : index
    %get3A_9 = vector.load %arg3[%get3A_7, %get3A_8] : memref<2000x128xf32, #tpu.memory_space<vmem>>, vector<2000x128xf32>
    %add3A = arith.addf %mul3A_6, %get3A_9 : vector<2000x128xf32>
    %get3A_10 = arith.constant 0 : index
    %get3A_11 = arith.constant 0 : index
    %get3A_12 = vector.load %arg4[%get3A_10, %get3A_11] : memref<2000x128xf32, #tpu.memory_space<vmem>>, vector<2000x128xf32>
    %add3A_13 = arith.addf %add3A, %get3A_12 : vector<2000x128xf32>
    %get3A_14 = arith.constant 0 : index
    %get3A_15 = arith.constant 0 : index
    %get3A_16 = vector.load %arg6[%get3A_14, %get3A_15] : memref<128x60xf32, #tpu.memory_space<vmem>>, vector<128x60xf32>
    %dot_general3A = arith.constant dense<0.000000e+00> : vector<2000x60xf32>
    %dot_general3A_17 = tpu.matmul %add3A_13, %get3A_16, %dot_general3A {dimension_numbers = #tpu.dot_dimension_numbers<[1], [0], [0], [1], [0, 0, 1, 1], [], []>, transpose_lhs_hint = false} : vector<2000x128xf32>, vector<128x60xf32>, vector<2000x60xf32> -> vector<2000x60xf32>
    %get3A_18 = arith.constant 0 : index
    %get3A_19 = arith.constant 0 : index
    %get3A_20 = vector.load %arg7[%get3A_18, %get3A_19] : memref<1x60xf32, #tpu.memory_space<vmem>>, vector<1x60xf32>
    %add3A_21 = vector.broadcast %get3A_20 : vector<1x60xf32> to vector<2000x60xf32>
    %add3A_22 = arith.addf %dot_general3A_17, %add3A_21 : vector<2000x60xf32>
    %ge3A = arith.constant 0.000000e+00 : f32
    %ge3A_23 = vector.broadcast %ge3A : f32 to vector<2000x60xf32>
    %ge3A_24 = arith.cmpf oge, %add3A_22, %ge3A_23 : vector<2000x60xf32>
    %mul3A_25 = arith.constant 0.00999999977 : f32
    %mul3A_26 = vector.broadcast %mul3A_25 : f32 to vector<2000x60xf32>
    %mul3A_27 = arith.mulf %mul3A_26, %add3A_22 : vector<2000x60xf32>
    %select_n3A = arith.select %ge3A_24, %add3A_22, %mul3A_27 : vector<2000x60xi1>, vector<2000x60xf32>
    %get3A_28 = arith.constant 0 : index
    %get3A_29 = arith.constant 0 : index
    %get3A_30 = vector.load %arg8[%get3A_28, %get3A_29] : memref<60x30xf32, #tpu.memory_space<vmem>>, vector<60x30xf32>
    %dot_general3A_31 = arith.constant dense<0.000000e+00> : vector<2000x30xf32>
    %dot_general3A_32 = tpu.matmul %select_n3A, %get3A_30, %dot_general3A_31 {dimension_numbers = #tpu.dot_dimension_numbers<[1], [0], [0], [1], [0, 0, 1, 1], [], []>, transpose_lhs_hint = false} : vector<2000x60xf32>, vector<60x30xf32>, vector<2000x30xf32> -> vector<2000x30xf32>
    %get3A_33 = arith.constant 0 : index
    %get3A_34 = arith.constant 0 : index
    %get3A_35 = vector.load %arg9[%get3A_33, %get3A_34] : memref<1x30xf32, #tpu.memory_space<vmem>>, vector<1x30xf32>
    %add3A_36 = vector.broadcast %get3A_35 : vector<1x30xf32> to vector<2000x30xf32>
    %add3A_37 = arith.addf %dot_general3A_32, %add3A_36 : vector<2000x30xf32>
    %ge3A_38 = arith.constant 0.000000e+00 : f32
    %ge3A_39 = vector.broadcast %ge3A_38 : f32 to vector<2000x30xf32>
    %ge3A_40 = arith.cmpf oge, %add3A_37, %ge3A_39 : vector<2000x30xf32>
    %mul3A_41 = arith.constant 0.00999999977 : f32
    %mul3A_42 = vector.broadcast %mul3A_41 : f32 to vector<2000x30xf32>
    %mul3A_43 = arith.mulf %mul3A_42, %add3A_37 : vector<2000x30xf32>
    %select_n3A_44 = arith.select %ge3A_40, %add3A_37, %mul3A_43 : vector<2000x30xi1>, vector<2000x30xf32>
    %ge3A_45 = arith.constant 0.000000e+00 : f32
    %ge3A_46 = vector.broadcast %ge3A_45 : f32 to vector<2000x30xf32>
    %ge3A_47 = arith.cmpf oge, %select_n3A_44, %ge3A_46 : vector<2000x30xf32>
    %mul3A_48 = arith.constant 0.00999999977 : f32
    %mul3A_49 = vector.broadcast %mul3A_48 : f32 to vector<2000x30xf32>
    %mul3A_50 = arith.mulf %mul3A_49, %select_n3A_44 : vector<2000x30xf32>
    %select_n3A_51 = arith.select %ge3A_47, %select_n3A_44, %mul3A_50 : vector<2000x30xi1>, vector<2000x30xf32>
    %get3A_52 = arith.constant 0 : index
    %get3A_53 = arith.constant 0 : index
    %get3A_54 = vector.load %arg1[%get3A_52, %get3A_53] : memref<2000x30xf32, #tpu.memory_space<vmem>>, vector<2000x30xf32>
    %get3A_55 = arith.constant 0 : index
    %get3A_56 = arith.constant 0 : index
    %get3A_57 = vector.load %arg10[%get3A_55, %get3A_56] : memref<30x320xf32, #tpu.memory_space<vmem>>, vector<30x320xf32>
    %dot_general3A_58 = arith.constant dense<0.000000e+00> : vector<2000x320xf32>
    %dot_general3A_59 = tpu.matmul %get3A_54, %get3A_57, %dot_general3A_58 {dimension_numbers = #tpu.dot_dimension_numbers<[1], [0], [0], [1], [0, 0, 1, 1], [], []>, transpose_lhs_hint = false} : vector<2000x30xf32>, vector<30x320xf32>, vector<2000x320xf32> -> vector<2000x320xf32>
    %get3A_60 = arith.constant 0 : index
    %get3A_61 = arith.constant 0 : index
    %get3A_62 = vector.load %arg11[%get3A_60, %get3A_61] : memref<30x320xf32, #tpu.memory_space<vmem>>, vector<30x320xf32>
    %dot_general3A_63 = arith.constant dense<0.000000e+00> : vector<2000x320xf32>
    %dot_general3A_64 = tpu.matmul %select_n3A_51, %get3A_62, %dot_general3A_63 {dimension_numbers = #tpu.dot_dimension_numbers<[1], [0], [0], [1], [0, 0, 1, 1], [], []>, transpose_lhs_hint = false} : vector<2000x30xf32>, vector<30x320xf32>, vector<2000x320xf32> -> vector<2000x320xf32>
    %add3A_65 = arith.addf %dot_general3A_59, %dot_general3A_64 : vector<2000x320xf32>
    %get3A_66 = arith.constant 0 : index
    %get3A_67 = arith.constant 0 : index
    %get3A_68 = vector.load %arg12[%get3A_66, %get3A_67] : memref<1x320xf32, #tpu.memory_space<vmem>>, vector<1x320xf32>
    %add3A_69 = vector.broadcast %get3A_68 : vector<1x320xf32> to vector<2000x320xf32>
    %add3A_70 = arith.addf %add3A_65, %add3A_69 : vector<2000x320xf32>
    %ge3A_71 = arith.constant 0.000000e+00 : f32
    %ge3A_72 = vector.broadcast %ge3A_71 : f32 to vector<2000x320xf32>
    %ge3A_73 = arith.cmpf oge, %add3A_70, %ge3A_72 : vector<2000x320xf32>
    %mul3A_74 = arith.constant 0.00999999977 : f32
    %mul3A_75 = vector.broadcast %mul3A_74 : f32 to vector<2000x320xf32>
    %mul3A_76 = arith.mulf %mul3A_75, %add3A_70 : vector<2000x320xf32>
    %select_n3A_77 = arith.select %ge3A_73, %add3A_70, %mul3A_76 : vector<2000x320xi1>, vector<2000x320xf32>
    %slice3A = vector.extract_strided_slice %select_n3A_77 {offsets = [0, 0], sizes = [2000, 64], strides = [1, 1]} : vector<2000x320xf32> to vector<2000x64xf32>
    %slice3A_78 = vector.extract_strided_slice %select_n3A_77 {offsets = [0, 64], sizes = [2000, 64], strides = [1, 1]} : vector<2000x320xf32> to vector<2000x64xf32>
    %slice3A_79 = vector.extract_strided_slice %select_n3A_77 {offsets = [0, 128], sizes = [2000, 64], strides = [1, 1]} : vector<2000x320xf32> to vector<2000x64xf32>
    %slice3A_80 = vector.extract_strided_slice %select_n3A_77 {offsets = [0, 192], sizes = [2000, 64], strides = [1, 1]} : vector<2000x320xf32> to vector<2000x64xf32>
    %slice3A_81 = vector.extract_strided_slice %select_n3A_77 {offsets = [0, 256], sizes = [2000, 64], strides = [1, 1]} : vector<2000x320xf32> to vector<2000x64xf32>
    %add3A_82 = arith.addf %slice3A, %slice3A_78 : vector<2000x64xf32>
    %add3A_83 = arith.addf %add3A_82, %slice3A_79 : vector<2000x64xf32>
    %add3A_84 = arith.addf %add3A_83, %slice3A_80 : vector<2000x64xf32>
    %add3A_85 = arith.addf %add3A_84, %slice3A_81 : vector<2000x64xf32>
    %mul3A_86 = arith.constant 2.000000e-01 : f32
    %mul3A_87 = vector.broadcast %mul3A_86 : f32 to vector<2000x64xf32>
    %mul3A_88 = arith.mulf %add3A_85, %mul3A_87 : vector<2000x64xf32>
    %max3A = arith.maximumf %slice3A, %slice3A_78 : vector<2000x64xf32>
    %max3A_89 = arith.maximumf %slice3A_79, %slice3A_80 : vector<2000x64xf32>
    %max3A_90 = arith.maximumf %max3A, %max3A_89 : vector<2000x64xf32>
    %max3A_91 = arith.maximumf %max3A_90, %slice3A_81 : vector<2000x64xf32>
    %sub3A = arith.subf %slice3A, %max3A_91 : vector<2000x64xf32>
    %exp3A = math.exp %sub3A : vector<2000x64xf32>
    %sub3A_92 = arith.subf %slice3A_78, %max3A_91 : vector<2000x64xf32>
    %exp3A_93 = math.exp %sub3A_92 : vector<2000x64xf32>
    %add3A_94 = arith.addf %exp3A, %exp3A_93 : vector<2000x64xf32>
    %sub3A_95 = arith.subf %slice3A_79, %max3A_91 : vector<2000x64xf32>
    %exp3A_96 = math.exp %sub3A_95 : vector<2000x64xf32>
    %add3A_97 = arith.addf %add3A_94, %exp3A_96 : vector<2000x64xf32>
    %sub3A_98 = arith.subf %slice3A_80, %max3A_91 : vector<2000x64xf32>
    %exp3A_99 = math.exp %sub3A_98 : vector<2000x64xf32>
    %add3A_100 = arith.addf %add3A_97, %exp3A_99 : vector<2000x64xf32>
    %sub3A_101 = arith.subf %slice3A_81, %max3A_91 : vector<2000x64xf32>
    %exp3A_102 = math.exp %sub3A_101 : vector<2000x64xf32>
    %add3A_103 = arith.addf %add3A_100, %exp3A_102 : vector<2000x64xf32>
    %log3A = math.log %add3A_103 : vector<2000x64xf32>
    %add3A_104 = arith.addf %max3A_91, %log3A : vector<2000x64xf32>
    %get3A_105 = arith.constant 0 : index
    %get3A_106 = arith.constant 0 : index
    %get3A_107 = vector.load %arg13[%get3A_105, %get3A_106] : memref<64x4xf32, #tpu.memory_space<vmem>>, vector<64x4xf32>
    %get3A_108 = arith.constant 0 : index
    %get3A_109 = arith.constant 0 : index
    %get3A_110 = vector.load %arg14[%get3A_108, %get3A_109] : memref<1x4xf32, #tpu.memory_space<vmem>>, vector<1x4xf32>
    %get3A_111 = arith.constant 0 : index
    %get3A_112 = arith.constant 0 : index
    %get3A_113 = vector.load %arg15[%get3A_111, %get3A_112] : memref<4x64xf32, #tpu.memory_space<vmem>>, vector<4x64xf32>
    %get3A_114 = arith.constant 0 : index
    %get3A_115 = arith.constant 0 : index
    %get3A_116 = vector.load %arg16[%get3A_114, %get3A_115] : memref<1x64xf32, #tpu.memory_space<vmem>>, vector<1x64xf32>
    %dot_general3A_117 = arith.constant dense<0.000000e+00> : vector<2000x4xf32>
    %dot_general3A_118 = tpu.matmul %mul3A_88, %get3A_107, %dot_general3A_117 {dimension_numbers = #tpu.dot_dimension_numbers<[1], [0], [0], [1], [0, 0, 1, 1], [], []>, transpose_lhs_hint = false} : vector<2000x64xf32>, vector<64x4xf32>, vector<2000x4xf32> -> vector<2000x4xf32>
    %add3A_119 = vector.broadcast %get3A_110 : vector<1x4xf32> to vector<2000x4xf32>
    %add3A_120 = arith.addf %dot_general3A_118, %add3A_119 : vector<2000x4xf32>
    %max3A_121 = arith.constant 0.000000e+00 : f32
    %max3A_122 = vector.broadcast %max3A_121 : f32 to vector<2000x4xf32>
    %max3A_123 = arith.maximumf %add3A_120, %max3A_122 : vector<2000x4xf32>
    %dot_general3A_124 = arith.constant dense<0.000000e+00> : vector<2000x64xf32>
    %dot_general3A_125 = tpu.matmul %max3A_123, %get3A_113, %dot_general3A_124 {dimension_numbers = #tpu.dot_dimension_numbers<[1], [0], [0], [1], [0, 0, 1, 1], [], []>, transpose_lhs_hint = false} : vector<2000x4xf32>, vector<4x64xf32>, vector<2000x64xf32> -> vector<2000x64xf32>
    %add3A_126 = vector.broadcast %get3A_116 : vector<1x64xf32> to vector<2000x64xf32>
    %add3A_127 = arith.addf %dot_general3A_125, %add3A_126 : vector<2000x64xf32>
    %get3A_128 = arith.constant 0 : index
    %get3A_129 = arith.constant 0 : index
    %get3A_130 = vector.load %arg13[%get3A_128, %get3A_129] : memref<64x4xf32, #tpu.memory_space<vmem>>, vector<64x4xf32>
    %get3A_131 = arith.constant 0 : index
    %get3A_132 = arith.constant 0 : index
    %get3A_133 = vector.load %arg14[%get3A_131, %get3A_132] : memref<1x4xf32, #tpu.memory_space<vmem>>, vector<1x4xf32>
    %get3A_134 = arith.constant 0 : index
    %get3A_135 = arith.constant 0 : index
    %get3A_136 = vector.load %arg15[%get3A_134, %get3A_135] : memref<4x64xf32, #tpu.memory_space<vmem>>, vector<4x64xf32>
    %get3A_137 = arith.constant 0 : index
    %get3A_138 = arith.constant 0 : index
    %get3A_139 = vector.load %arg16[%get3A_137, %get3A_138] : memref<1x64xf32, #tpu.memory_space<vmem>>, vector<1x64xf32>
    %dot_general3A_140 = arith.constant dense<0.000000e+00> : vector<2000x4xf32>
    %dot_general3A_141 = tpu.matmul %max3A_91, %get3A_130, %dot_general3A_140 {dimension_numbers = #tpu.dot_dimension_numbers<[1], [0], [0], [1], [0, 0, 1, 1], [], []>, transpose_lhs_hint = false} : vector<2000x64xf32>, vector<64x4xf32>, vector<2000x4xf32> -> vector<2000x4xf32>
    %add3A_142 = vector.broadcast %get3A_133 : vector<1x4xf32> to vector<2000x4xf32>
    %add3A_143 = arith.addf %dot_general3A_141, %add3A_142 : vector<2000x4xf32>
    %max3A_144 = arith.constant 0.000000e+00 : f32
    %max3A_145 = vector.broadcast %max3A_144 : f32 to vector<2000x4xf32>
    %max3A_146 = arith.maximumf %add3A_143, %max3A_145 : vector<2000x4xf32>
    %dot_general3A_147 = arith.constant dense<0.000000e+00> : vector<2000x64xf32>
    %dot_general3A_148 = tpu.matmul %max3A_146, %get3A_136, %dot_general3A_147 {dimension_numbers = #tpu.dot_dimension_numbers<[1], [0], [0], [1], [0, 0, 1, 1], [], []>, transpose_lhs_hint = false} : vector<2000x4xf32>, vector<4x64xf32>, vector<2000x64xf32> -> vector<2000x64xf32>
    %add3A_149 = vector.broadcast %get3A_139 : vector<1x64xf32> to vector<2000x64xf32>
    %add3A_150 = arith.addf %dot_general3A_148, %add3A_149 : vector<2000x64xf32>
    %add3A_151 = arith.addf %add3A_127, %add3A_150 : vector<2000x64xf32>
    %get3A_152 = arith.constant 0 : index
    %get3A_153 = arith.constant 0 : index
    %get3A_154 = vector.load %arg13[%get3A_152, %get3A_153] : memref<64x4xf32, #tpu.memory_space<vmem>>, vector<64x4xf32>
    %get3A_155 = arith.constant 0 : index
    %get3A_156 = arith.constant 0 : index
    %get3A_157 = vector.load %arg14[%get3A_155, %get3A_156] : memref<1x4xf32, #tpu.memory_space<vmem>>, vector<1x4xf32>
    %get3A_158 = arith.constant 0 : index
    %get3A_159 = arith.constant 0 : index
    %get3A_160 = vector.load %arg15[%get3A_158, %get3A_159] : memref<4x64xf32, #tpu.memory_space<vmem>>, vector<4x64xf32>
    %get3A_161 = arith.constant 0 : index
    %get3A_162 = arith.constant 0 : index
    %get3A_163 = vector.load %arg16[%get3A_161, %get3A_162] : memref<1x64xf32, #tpu.memory_space<vmem>>, vector<1x64xf32>
    %dot_general3A_164 = arith.constant dense<0.000000e+00> : vector<2000x4xf32>
    %dot_general3A_165 = tpu.matmul %add3A_104, %get3A_154, %dot_general3A_164 {dimension_numbers = #tpu.dot_dimension_numbers<[1], [0], [0], [1], [0, 0, 1, 1], [], []>, transpose_lhs_hint = false} : vector<2000x64xf32>, vector<64x4xf32>, vector<2000x4xf32> -> vector<2000x4xf32>
    %add3A_166 = vector.broadcast %get3A_157 : vector<1x4xf32> to vector<2000x4xf32>
    %add3A_167 = arith.addf %dot_general3A_165, %add3A_166 : vector<2000x4xf32>
    %max3A_168 = arith.constant 0.000000e+00 : f32
    %max3A_169 = vector.broadcast %max3A_168 : f32 to vector<2000x4xf32>
    %max3A_170 = arith.maximumf %add3A_167, %max3A_169 : vector<2000x4xf32>
    %dot_general3A_171 = arith.constant dense<0.000000e+00> : vector<2000x64xf32>
    %dot_general3A_172 = tpu.matmul %max3A_170, %get3A_160, %dot_general3A_171 {dimension_numbers = #tpu.dot_dimension_numbers<[1], [0], [0], [1], [0, 0, 1, 1], [], []>, transpose_lhs_hint = false} : vector<2000x4xf32>, vector<4x64xf32>, vector<2000x64xf32> -> vector<2000x64xf32>
    %add3A_173 = vector.broadcast %get3A_163 : vector<1x64xf32> to vector<2000x64xf32>
    %add3A_174 = arith.addf %dot_general3A_172, %add3A_173 : vector<2000x64xf32>
    %add3A_175 = arith.addf %add3A_151, %add3A_174 : vector<2000x64xf32>
    %neg3A = arith.constant 0.000000e+00 : f32
    %neg3A_176 = vector.broadcast %neg3A : f32 to vector<2000x64xf32>
    %neg3A_177 = arith.subf %neg3A_176, %add3A_175 : vector<2000x64xf32>
    %exp3A_178 = math.exp %neg3A_177 : vector<2000x64xf32>
    %add3A_179 = arith.constant 1.000000e+00 : f32
    %add3A_180 = vector.broadcast %add3A_179 : f32 to vector<2000x64xf32>
    %add3A_181 = arith.addf %add3A_180, %exp3A_178 : vector<2000x64xf32>
    %div3A = arith.constant 1.000000e+00 : f32
    %div3A_182 = vector.broadcast %div3A : f32 to vector<2000x64xf32>
    %div3A_183 = arith.divf %div3A_182, %add3A_181 : vector<2000x64xf32>
    %mul3A_184 = arith.mulf %slice3A, %div3A_183 : vector<2000x64xf32>
    %mul3A_185 = arith.mulf %slice3A_78, %div3A_183 : vector<2000x64xf32>
    %mul3A_186 = arith.mulf %slice3A_79, %div3A_183 : vector<2000x64xf32>
    %mul3A_187 = arith.mulf %slice3A_80, %div3A_183 : vector<2000x64xf32>
    %mul3A_188 = arith.mulf %slice3A_81, %div3A_183 : vector<2000x64xf32>
    %reduce_max3A = arith.constant dense<0xFF800000> : vector<2000xf32>
    %reduce_max3A_189 = vector.multi_reduction <maximumf>, %mul3A_184, %reduce_max3A [1] : vector<2000x64xf32> to vector<2000xf32>
    %broadcast_in_dim3A = vector.shape_cast %reduce_max3A_189 : vector<2000xf32> to vector<2000x1xf32>
    %reduce_max3A_190 = arith.constant dense<0xFF800000> : vector<2000xf32>
    %reduce_max3A_191 = vector.multi_reduction <maximumf>, %mul3A_185, %reduce_max3A_190 [1] : vector<2000x64xf32> to vector<2000xf32>
    %broadcast_in_dim3A_192 = vector.shape_cast %reduce_max3A_191 : vector<2000xf32> to vector<2000x1xf32>
    %reduce_max3A_193 = arith.constant dense<0xFF800000> : vector<2000xf32>
    %reduce_max3A_194 = vector.multi_reduction <maximumf>, %mul3A_186, %reduce_max3A_193 [1] : vector<2000x64xf32> to vector<2000xf32>
    %broadcast_in_dim3A_195 = vector.shape_cast %reduce_max3A_194 : vector<2000xf32> to vector<2000x1xf32>
    %reduce_max3A_196 = arith.constant dense<0xFF800000> : vector<2000xf32>
    %reduce_max3A_197 = vector.multi_reduction <maximumf>, %mul3A_187, %reduce_max3A_196 [1] : vector<2000x64xf32> to vector<2000xf32>
    %broadcast_in_dim3A_198 = vector.shape_cast %reduce_max3A_197 : vector<2000xf32> to vector<2000x1xf32>
    %reduce_max3A_199 = arith.constant dense<0xFF800000> : vector<2000xf32>
    %reduce_max3A_200 = vector.multi_reduction <maximumf>, %mul3A_188, %reduce_max3A_199 [1] : vector<2000x64xf32> to vector<2000xf32>
    %broadcast_in_dim3A_201 = vector.shape_cast %reduce_max3A_200 : vector<2000xf32> to vector<2000x1xf32>
    %reduce_sum3A = arith.constant dense<0.000000e+00> : vector<2000xf32>
    %reduce_sum3A_202 = vector.multi_reduction <add>, %mul3A_184, %reduce_sum3A [1] : vector<2000x64xf32> to vector<2000xf32>
    %broadcast_in_dim3A_203 = vector.shape_cast %reduce_sum3A_202 : vector<2000xf32> to vector<2000x1xf32>
    %div3A_204 = arith.constant 6.400000e+01 : f32
    %div3A_205 = vector.broadcast %div3A_204 : f32 to vector<2000x1xf32>
    %div3A_206 = arith.divf %broadcast_in_dim3A_203, %div3A_205 : vector<2000x1xf32>
    %reduce_sum3A_207 = arith.constant dense<0.000000e+00> : vector<2000xf32>
    %reduce_sum3A_208 = vector.multi_reduction <add>, %mul3A_185, %reduce_sum3A_207 [1] : vector<2000x64xf32> to vector<2000xf32>
    %broadcast_in_dim3A_209 = vector.shape_cast %reduce_sum3A_208 : vector<2000xf32> to vector<2000x1xf32>
    %div3A_210 = arith.constant 6.400000e+01 : f32
    %div3A_211 = vector.broadcast %div3A_210 : f32 to vector<2000x1xf32>
    %div3A_212 = arith.divf %broadcast_in_dim3A_209, %div3A_211 : vector<2000x1xf32>
    %reduce_sum3A_213 = arith.constant dense<0.000000e+00> : vector<2000xf32>
    %reduce_sum3A_214 = vector.multi_reduction <add>, %mul3A_186, %reduce_sum3A_213 [1] : vector<2000x64xf32> to vector<2000xf32>
    %broadcast_in_dim3A_215 = vector.shape_cast %reduce_sum3A_214 : vector<2000xf32> to vector<2000x1xf32>
    %div3A_216 = arith.constant 6.400000e+01 : f32
    %div3A_217 = vector.broadcast %div3A_216 : f32 to vector<2000x1xf32>
    %div3A_218 = arith.divf %broadcast_in_dim3A_215, %div3A_217 : vector<2000x1xf32>
    %reduce_sum3A_219 = arith.constant dense<0.000000e+00> : vector<2000xf32>
    %reduce_sum3A_220 = vector.multi_reduction <add>, %mul3A_187, %reduce_sum3A_219 [1] : vector<2000x64xf32> to vector<2000xf32>
    %broadcast_in_dim3A_221 = vector.shape_cast %reduce_sum3A_220 : vector<2000xf32> to vector<2000x1xf32>
    %div3A_222 = arith.constant 6.400000e+01 : f32
    %div3A_223 = vector.broadcast %div3A_222 : f32 to vector<2000x1xf32>
    %div3A_224 = arith.divf %broadcast_in_dim3A_221, %div3A_223 : vector<2000x1xf32>
    %reduce_sum3A_225 = arith.constant dense<0.000000e+00> : vector<2000xf32>
    %reduce_sum3A_226 = vector.multi_reduction <add>, %mul3A_188, %reduce_sum3A_225 [1] : vector<2000x64xf32> to vector<2000xf32>
    %broadcast_in_dim3A_227 = vector.shape_cast %reduce_sum3A_226 : vector<2000xf32> to vector<2000x1xf32>
    %div3A_228 = arith.constant 6.400000e+01 : f32
    %div3A_229 = vector.broadcast %div3A_228 : f32 to vector<2000x1xf32>
    %div3A_230 = arith.divf %broadcast_in_dim3A_227, %div3A_229 : vector<2000x1xf32>
    %concatenate3A = tpu.concatenate %broadcast_in_dim3A, %broadcast_in_dim3A_192, %broadcast_in_dim3A_195, %broadcast_in_dim3A_198, %broadcast_in_dim3A_201, %div3A_206, %div3A_212, %div3A_218, %div3A_224, %div3A_230 in 1 : vector<2000x1xf32>, vector<2000x1xf32>, vector<2000x1xf32>, vector<2000x1xf32>, vector<2000x1xf32>, vector<2000x1xf32>, vector<2000x1xf32>, vector<2000x1xf32>, vector<2000x1xf32>, vector<2000x1xf32> -> vector<2000x10xf32>
    %get3A_231 = arith.constant 0 : index
    %get3A_232 = arith.constant 0 : index
    %get3A_233 = vector.load %arg17[%get3A_231, %get3A_232] : memref<10x5xf32, #tpu.memory_space<vmem>>, vector<10x5xf32>
    %dot_general3A_234 = arith.constant dense<0.000000e+00> : vector<2000x5xf32>
    %dot_general3A_235 = tpu.matmul %concatenate3A, %get3A_233, %dot_general3A_234 {dimension_numbers = #tpu.dot_dimension_numbers<[1], [0], [0], [1], [0, 0, 1, 1], [], []>, transpose_lhs_hint = false} : vector<2000x10xf32>, vector<10x5xf32>, vector<2000x5xf32> -> vector<2000x5xf32>
    %get3A_236 = arith.constant 0 : index
    %get3A_237 = arith.constant 0 : index
    %get3A_238 = vector.load %arg18[%get3A_236, %get3A_237] : memref<1x5xf32, #tpu.memory_space<vmem>>, vector<1x5xf32>
    %add3A_239 = vector.broadcast %get3A_238 : vector<1x5xf32> to vector<2000x5xf32>
    %add3A_240 = arith.addf %dot_general3A_235, %add3A_239 : vector<2000x5xf32>
    %neg3A_241 = arith.constant 0.000000e+00 : f32
    %neg3A_242 = vector.broadcast %neg3A_241 : f32 to vector<2000x5xf32>
    %neg3A_243 = arith.subf %neg3A_242, %add3A_240 : vector<2000x5xf32>
    %exp3A_244 = math.exp %neg3A_243 : vector<2000x5xf32>
    %add3A_245 = arith.constant 1.000000e+00 : f32
    %add3A_246 = vector.broadcast %add3A_245 : f32 to vector<2000x5xf32>
    %add3A_247 = arith.addf %add3A_246, %exp3A_244 : vector<2000x5xf32>
    %div3A_248 = arith.constant 1.000000e+00 : f32
    %div3A_249 = vector.broadcast %div3A_248 : f32 to vector<2000x5xf32>
    %div3A_250 = arith.divf %div3A_249, %add3A_247 : vector<2000x5xf32>
    %slice3A_251 = vector.extract_strided_slice %div3A_250 {offsets = [0, 0], sizes = [2000, 1], strides = [1, 1]} : vector<2000x5xf32> to vector<2000x1xf32>
    %mul3A_252 = vector.broadcast %slice3A_251 : vector<2000x1xf32> to vector<2000x64xf32>
    %mul3A_253 = arith.mulf %mul3A_184, %mul3A_252 : vector<2000x64xf32>
    %slice3A_254 = vector.extract_strided_slice %div3A_250 {offsets = [0, 1], sizes = [2000, 1], strides = [1, 1]} : vector<2000x5xf32> to vector<2000x1xf32>
    %mul3A_255 = vector.broadcast %slice3A_254 : vector<2000x1xf32> to vector<2000x64xf32>
    %mul3A_256 = arith.mulf %mul3A_185, %mul3A_255 : vector<2000x64xf32>
    %slice3A_257 = vector.extract_strided_slice %div3A_250 {offsets = [0, 2], sizes = [2000, 1], strides = [1, 1]} : vector<2000x5xf32> to vector<2000x1xf32>
    %mul3A_258 = vector.broadcast %slice3A_257 : vector<2000x1xf32> to vector<2000x64xf32>
    %mul3A_259 = arith.mulf %mul3A_186, %mul3A_258 : vector<2000x64xf32>
    %slice3A_260 = vector.extract_strided_slice %div3A_250 {offsets = [0, 3], sizes = [2000, 1], strides = [1, 1]} : vector<2000x5xf32> to vector<2000x1xf32>
    %mul3A_261 = vector.broadcast %slice3A_260 : vector<2000x1xf32> to vector<2000x64xf32>
    %mul3A_262 = arith.mulf %mul3A_187, %mul3A_261 : vector<2000x64xf32>
    %slice3A_263 = vector.extract_strided_slice %div3A_250 {offsets = [0, 4], sizes = [2000, 1], strides = [1, 1]} : vector<2000x5xf32> to vector<2000x1xf32>
    %mul3A_264 = vector.broadcast %slice3A_263 : vector<2000x1xf32> to vector<2000x64xf32>
    %mul3A_265 = arith.mulf %mul3A_188, %mul3A_264 : vector<2000x64xf32>
    %concatenate3A_266 = tpu.concatenate %mul3A_253, %mul3A_256, %mul3A_259, %mul3A_262, %mul3A_265 in 1 : vector<2000x64xf32>, vector<2000x64xf32>, vector<2000x64xf32>, vector<2000x64xf32>, vector<2000x64xf32> -> vector<2000x320xf32>
    %convert_element_type3A = arith.truncf %concatenate3A_266 : vector<2000x320xf32> to vector<2000x320xbf16>
    %get3A_267 = arith.constant 0 : index
    %get3A_268 = arith.constant 0 : index
    %get3A_269 = vector.load %arg19[%get3A_267, %get3A_268] : memref<320x256xbf16, #tpu.memory_space<vmem>>, vector<320x256xbf16>
    %dot_general3A_270 = arith.constant dense<0.000000e+00> : vector<2000x256xf32>
    %dot_general3A_271 = tpu.matmul %convert_element_type3A, %get3A_269, %dot_general3A_270 {dimension_numbers = #tpu.dot_dimension_numbers<[1], [0], [0], [1], [0, 0, 1, 1], [], []>, transpose_lhs_hint = false} : vector<2000x320xbf16>, vector<320x256xbf16>, vector<2000x256xf32> -> vector<2000x256xf32>
    %get3A_272 = arith.constant 0 : index
    %get3A_273 = arith.constant 0 : index
    %get3A_274 = vector.load %arg20[%get3A_272, %get3A_273] : memref<1x256xf32, #tpu.memory_space<vmem>>, vector<1x256xf32>
    %add3A_275 = vector.broadcast %get3A_274 : vector<1x256xf32> to vector<2000x256xf32>
    %add3A_276 = arith.addf %dot_general3A_271, %add3A_275 : vector<2000x256xf32>
    %ge3A_277 = arith.constant 0.000000e+00 : f32
    %ge3A_278 = vector.broadcast %ge3A_277 : f32 to vector<2000x256xf32>
    %ge3A_279 = arith.cmpf oge, %add3A_276, %ge3A_278 : vector<2000x256xf32>
    %mul3A_280 = arith.constant 0.00999999977 : f32
    %mul3A_281 = vector.broadcast %mul3A_280 : f32 to vector<2000x256xf32>
    %mul3A_282 = arith.mulf %mul3A_281, %add3A_276 : vector<2000x256xf32>
    %select_n3A_283 = arith.select %ge3A_279, %add3A_276, %mul3A_282 : vector<2000x256xi1>, vector<2000x256xf32>
    %slice3A_284 = vector.extract_strided_slice %select_n3A_283 {offsets = [0, 0], sizes = [2000, 128], strides = [1, 1]} : vector<2000x256xf32> to vector<2000x128xf32>
    %slice3A_285 = vector.extract_strided_slice %select_n3A_283 {offsets = [0, 128], sizes = [2000, 128], strides = [1, 1]} : vector<2000x256xf32> to vector<2000x128xf32>
    %add3A_286 = arith.addf %slice3A_284, %slice3A_285 : vector<2000x128xf32>
    %mul3A_287 = arith.constant 5.000000e-01 : f32
    %mul3A_288 = vector.broadcast %mul3A_287 : f32 to vector<2000x128xf32>
    %mul3A_289 = arith.mulf %add3A_286, %mul3A_288 : vector<2000x128xf32>
    %max3A_290 = arith.maximumf %slice3A_284, %slice3A_285 : vector<2000x128xf32>
    %sub3A_291 = arith.subf %slice3A_284, %max3A_290 : vector<2000x128xf32>
    %exp3A_292 = math.exp %sub3A_291 : vector<2000x128xf32>
    %sub3A_293 = arith.subf %slice3A_285, %max3A_290 : vector<2000x128xf32>
    %exp3A_294 = math.exp %sub3A_293 : vector<2000x128xf32>
    %add3A_295 = arith.addf %exp3A_292, %exp3A_294 : vector<2000x128xf32>
    %log3A_296 = math.log %add3A_295 : vector<2000x128xf32>
    %add3A_297 = arith.addf %max3A_290, %log3A_296 : vector<2000x128xf32>
    %get3A_298 = arith.constant 0 : index
    %get3A_299 = arith.constant 0 : index
    %get3A_300 = vector.load %arg21[%get3A_298, %get3A_299] : memref<128x8xf32, #tpu.memory_space<vmem>>, vector<128x8xf32>
    %get3A_301 = arith.constant 0 : index
    %get3A_302 = arith.constant 0 : index
    %get3A_303 = vector.load %arg22[%get3A_301, %get3A_302] : memref<1x8xf32, #tpu.memory_space<vmem>>, vector<1x8xf32>
    %get3A_304 = arith.constant 0 : index
    %get3A_305 = arith.constant 0 : index
    %get3A_306 = vector.load %arg23[%get3A_304, %get3A_305] : memref<8x128xf32, #tpu.memory_space<vmem>>, vector<8x128xf32>
    %get3A_307 = arith.constant 0 : index
    %get3A_308 = arith.constant 0 : index
    %get3A_309 = vector.load %arg24[%get3A_307, %get3A_308] : memref<1x128xf32, #tpu.memory_space<vmem>>, vector<1x128xf32>
    %dot_general3A_310 = arith.constant dense<0.000000e+00> : vector<2000x8xf32>
    %dot_general3A_311 = tpu.matmul %mul3A_289, %get3A_300, %dot_general3A_310 {dimension_numbers = #tpu.dot_dimension_numbers<[1], [0], [0], [1], [0, 0, 1, 1], [], []>, transpose_lhs_hint = false} : vector<2000x128xf32>, vector<128x8xf32>, vector<2000x8xf32> -> vector<2000x8xf32>
    %add3A_312 = vector.broadcast %get3A_303 : vector<1x8xf32> to vector<2000x8xf32>
    %add3A_313 = arith.addf %dot_general3A_311, %add3A_312 : vector<2000x8xf32>
    %max3A_314 = arith.constant 0.000000e+00 : f32
    %max3A_315 = vector.broadcast %max3A_314 : f32 to vector<2000x8xf32>
    %max3A_316 = arith.maximumf %add3A_313, %max3A_315 : vector<2000x8xf32>
    %dot_general3A_317 = arith.constant dense<0.000000e+00> : vector<2000x128xf32>
    %dot_general3A_318 = tpu.matmul %max3A_316, %get3A_306, %dot_general3A_317 {dimension_numbers = #tpu.dot_dimension_numbers<[1], [0], [0], [1], [0, 0, 1, 1], [], []>, transpose_lhs_hint = false} : vector<2000x8xf32>, vector<8x128xf32>, vector<2000x128xf32> -> vector<2000x128xf32>
    %add3A_319 = vector.broadcast %get3A_309 : vector<1x128xf32> to vector<2000x128xf32>
    %add3A_320 = arith.addf %dot_general3A_318, %add3A_319 : vector<2000x128xf32>
    %get3A_321 = arith.constant 0 : index
    %get3A_322 = arith.constant 0 : index
    %get3A_323 = vector.load %arg21[%get3A_321, %get3A_322] : memref<128x8xf32, #tpu.memory_space<vmem>>, vector<128x8xf32>
    %get3A_324 = arith.constant 0 : index
    %get3A_325 = arith.constant 0 : index
    %get3A_326 = vector.load %arg22[%get3A_324, %get3A_325] : memref<1x8xf32, #tpu.memory_space<vmem>>, vector<1x8xf32>
    %get3A_327 = arith.constant 0 : index
    %get3A_328 = arith.constant 0 : index
    %get3A_329 = vector.load %arg23[%get3A_327, %get3A_328] : memref<8x128xf32, #tpu.memory_space<vmem>>, vector<8x128xf32>
    %get3A_330 = arith.constant 0 : index
    %get3A_331 = arith.constant 0 : index
    %get3A_332 = vector.load %arg24[%get3A_330, %get3A_331] : memref<1x128xf32, #tpu.memory_space<vmem>>, vector<1x128xf32>
    %dot_general3A_333 = arith.constant dense<0.000000e+00> : vector<2000x8xf32>
    %dot_general3A_334 = tpu.matmul %max3A_290, %get3A_323, %dot_general3A_333 {dimension_numbers = #tpu.dot_dimension_numbers<[1], [0], [0], [1], [0, 0, 1, 1], [], []>, transpose_lhs_hint = false} : vector<2000x128xf32>, vector<128x8xf32>, vector<2000x8xf32> -> vector<2000x8xf32>
    %add3A_335 = vector.broadcast %get3A_326 : vector<1x8xf32> to vector<2000x8xf32>
    %add3A_336 = arith.addf %dot_general3A_334, %add3A_335 : vector<2000x8xf32>
    %max3A_337 = arith.constant 0.000000e+00 : f32
    %max3A_338 = vector.broadcast %max3A_337 : f32 to vector<2000x8xf32>
    %max3A_339 = arith.maximumf %add3A_336, %max3A_338 : vector<2000x8xf32>
    %dot_general3A_340 = arith.constant dense<0.000000e+00> : vector<2000x128xf32>
    %dot_general3A_341 = tpu.matmul %max3A_339, %get3A_329, %dot_general3A_340 {dimension_numbers = #tpu.dot_dimension_numbers<[1], [0], [0], [1], [0, 0, 1, 1], [], []>, transpose_lhs_hint = false} : vector<2000x8xf32>, vector<8x128xf32>, vector<2000x128xf32> -> vector<2000x128xf32>
    %add3A_342 = vector.broadcast %get3A_332 : vector<1x128xf32> to vector<2000x128xf32>
    %add3A_343 = arith.addf %dot_general3A_341, %add3A_342 : vector<2000x128xf32>
    %add3A_344 = arith.addf %add3A_320, %add3A_343 : vector<2000x128xf32>
    %get3A_345 = arith.constant 0 : index
    %get3A_346 = arith.constant 0 : index
    %get3A_347 = vector.load %arg21[%get3A_345, %get3A_346] : memref<128x8xf32, #tpu.memory_space<vmem>>, vector<128x8xf32>
    %get3A_348 = arith.constant 0 : index
    %get3A_349 = arith.constant 0 : index
    %get3A_350 = vector.load %arg22[%get3A_348, %get3A_349] : memref<1x8xf32, #tpu.memory_space<vmem>>, vector<1x8xf32>
    %get3A_351 = arith.constant 0 : index
    %get3A_352 = arith.constant 0 : index
    %get3A_353 = vector.load %arg23[%get3A_351, %get3A_352] : memref<8x128xf32, #tpu.memory_space<vmem>>, vector<8x128xf32>
    %get3A_354 = arith.constant 0 : index
    %get3A_355 = arith.constant 0 : index
    %get3A_356 = vector.load %arg24[%get3A_354, %get3A_355] : memref<1x128xf32, #tpu.memory_space<vmem>>, vector<1x128xf32>
    %dot_general3A_357 = arith.constant dense<0.000000e+00> : vector<2000x8xf32>
    %dot_general3A_358 = tpu.matmul %add3A_297, %get3A_347, %dot_general3A_357 {dimension_numbers = #tpu.dot_dimension_numbers<[1], [0], [0], [1], [0, 0, 1, 1], [], []>, transpose_lhs_hint = false} : vector<2000x128xf32>, vector<128x8xf32>, vector<2000x8xf32> -> vector<2000x8xf32>
    %add3A_359 = vector.broadcast %get3A_350 : vector<1x8xf32> to vector<2000x8xf32>
    %add3A_360 = arith.addf %dot_general3A_358, %add3A_359 : vector<2000x8xf32>
    %max3A_361 = arith.constant 0.000000e+00 : f32
    %max3A_362 = vector.broadcast %max3A_361 : f32 to vector<2000x8xf32>
    %max3A_363 = arith.maximumf %add3A_360, %max3A_362 : vector<2000x8xf32>
    %dot_general3A_364 = arith.constant dense<0.000000e+00> : vector<2000x128xf32>
    %dot_general3A_365 = tpu.matmul %max3A_363, %get3A_353, %dot_general3A_364 {dimension_numbers = #tpu.dot_dimension_numbers<[1], [0], [0], [1], [0, 0, 1, 1], [], []>, transpose_lhs_hint = false} : vector<2000x8xf32>, vector<8x128xf32>, vector<2000x128xf32> -> vector<2000x128xf32>
    %add3A_366 = vector.broadcast %get3A_356 : vector<1x128xf32> to vector<2000x128xf32>
    %add3A_367 = arith.addf %dot_general3A_365, %add3A_366 : vector<2000x128xf32>
    %add3A_368 = arith.addf %add3A_344, %add3A_367 : vector<2000x128xf32>
    %neg3A_369 = arith.constant 0.000000e+00 : f32
    %neg3A_370 = vector.broadcast %neg3A_369 : f32 to vector<2000x128xf32>
    %neg3A_371 = arith.subf %neg3A_370, %add3A_368 : vector<2000x128xf32>
    %exp3A_372 = math.exp %neg3A_371 : vector<2000x128xf32>
    %add3A_373 = arith.constant 1.000000e+00 : f32
    %add3A_374 = vector.broadcast %add3A_373 : f32 to vector<2000x128xf32>
    %add3A_375 = arith.addf %add3A_374, %exp3A_372 : vector<2000x128xf32>
    %div3A_376 = arith.constant 1.000000e+00 : f32
    %div3A_377 = vector.broadcast %div3A_376 : f32 to vector<2000x128xf32>
    %div3A_378 = arith.divf %div3A_377, %add3A_375 : vector<2000x128xf32>
    %mul3A_379 = arith.mulf %slice3A_284, %div3A_378 : vector<2000x128xf32>
    %mul3A_380 = arith.mulf %slice3A_285, %div3A_378 : vector<2000x128xf32>
    %reduce_max3A_381 = arith.constant dense<0xFF800000> : vector<2000xf32>
    %reduce_max3A_382 = vector.multi_reduction <maximumf>, %mul3A_379, %reduce_max3A_381 [1] : vector<2000x128xf32> to vector<2000xf32>
    %broadcast_in_dim3A_383 = vector.shape_cast %reduce_max3A_382 : vector<2000xf32> to vector<2000x1xf32>
    %reduce_max3A_384 = arith.constant dense<0xFF800000> : vector<2000xf32>
    %reduce_max3A_385 = vector.multi_reduction <maximumf>, %mul3A_380, %reduce_max3A_384 [1] : vector<2000x128xf32> to vector<2000xf32>
    %broadcast_in_dim3A_386 = vector.shape_cast %reduce_max3A_385 : vector<2000xf32> to vector<2000x1xf32>
    %reduce_sum3A_387 = arith.constant dense<0.000000e+00> : vector<2000xf32>
    %reduce_sum3A_388 = vector.multi_reduction <add>, %mul3A_379, %reduce_sum3A_387 [1] : vector<2000x128xf32> to vector<2000xf32>
    %broadcast_in_dim3A_389 = vector.shape_cast %reduce_sum3A_388 : vector<2000xf32> to vector<2000x1xf32>
    %div3A_390 = arith.constant 1.280000e+02 : f32
    %div3A_391 = vector.broadcast %div3A_390 : f32 to vector<2000x1xf32>
    %div3A_392 = arith.divf %broadcast_in_dim3A_389, %div3A_391 : vector<2000x1xf32>
    %reduce_sum3A_393 = arith.constant dense<0.000000e+00> : vector<2000xf32>
    %reduce_sum3A_394 = vector.multi_reduction <add>, %mul3A_380, %reduce_sum3A_393 [1] : vector<2000x128xf32> to vector<2000xf32>
    %broadcast_in_dim3A_395 = vector.shape_cast %reduce_sum3A_394 : vector<2000xf32> to vector<2000x1xf32>
    %div3A_396 = arith.constant 1.280000e+02 : f32
    %div3A_397 = vector.broadcast %div3A_396 : f32 to vector<2000x1xf32>
    %div3A_398 = arith.divf %broadcast_in_dim3A_395, %div3A_397 : vector<2000x1xf32>
    %concatenate3A_399 = tpu.concatenate %broadcast_in_dim3A_383, %broadcast_in_dim3A_386, %div3A_392, %div3A_398 in 1 : vector<2000x1xf32>, vector<2000x1xf32>, vector<2000x1xf32>, vector<2000x1xf32> -> vector<2000x4xf32>
    %get3A_400 = arith.constant 0 : index
    %get3A_401 = arith.constant 0 : index
    %get3A_402 = vector.load %arg25[%get3A_400, %get3A_401] : memref<4x2xf32, #tpu.memory_space<vmem>>, vector<4x2xf32>
    %dot_general3A_403 = arith.constant dense<0.000000e+00> : vector<2000x2xf32>
    %dot_general3A_404 = tpu.matmul %concatenate3A_399, %get3A_402, %dot_general3A_403 {dimension_numbers = #tpu.dot_dimension_numbers<[1], [0], [0], [1], [0, 0, 1, 1], [], []>, transpose_lhs_hint = false} : vector<2000x4xf32>, vector<4x2xf32>, vector<2000x2xf32> -> vector<2000x2xf32>
    %get3A_405 = arith.constant 0 : index
    %get3A_406 = arith.constant 0 : index
    %get3A_407 = vector.load %arg26[%get3A_405, %get3A_406] : memref<1x2xf32, #tpu.memory_space<vmem>>, vector<1x2xf32>
    %add3A_408 = vector.broadcast %get3A_407 : vector<1x2xf32> to vector<2000x2xf32>
    %add3A_409 = arith.addf %dot_general3A_404, %add3A_408 : vector<2000x2xf32>
    %neg3A_410 = arith.constant 0.000000e+00 : f32
    %neg3A_411 = vector.broadcast %neg3A_410 : f32 to vector<2000x2xf32>
    %neg3A_412 = arith.subf %neg3A_411, %add3A_409 : vector<2000x2xf32>
    %exp3A_413 = math.exp %neg3A_412 : vector<2000x2xf32>
    %add3A_414 = arith.constant 1.000000e+00 : f32
    %add3A_415 = vector.broadcast %add3A_414 : f32 to vector<2000x2xf32>
    %add3A_416 = arith.addf %add3A_415, %exp3A_413 : vector<2000x2xf32>
    %div3A_417 = arith.constant 1.000000e+00 : f32
    %div3A_418 = vector.broadcast %div3A_417 : f32 to vector<2000x2xf32>
    %div3A_419 = arith.divf %div3A_418, %add3A_416 : vector<2000x2xf32>
    %slice3A_420 = vector.extract_strided_slice %div3A_419 {offsets = [0, 0], sizes = [2000, 1], strides = [1, 1]} : vector<2000x2xf32> to vector<2000x1xf32>
    %mul3A_421 = vector.broadcast %slice3A_420 : vector<2000x1xf32> to vector<2000x128xf32>
    %mul3A_422 = arith.mulf %mul3A_379, %mul3A_421 : vector<2000x128xf32>
    %slice3A_423 = vector.extract_strided_slice %div3A_419 {offsets = [0, 1], sizes = [2000, 1], strides = [1, 1]} : vector<2000x2xf32> to vector<2000x1xf32>
    %mul3A_424 = vector.broadcast %slice3A_423 : vector<2000x1xf32> to vector<2000x128xf32>
    %mul3A_425 = arith.mulf %mul3A_380, %mul3A_424 : vector<2000x128xf32>
    %concatenate3A_426 = tpu.concatenate %mul3A_422, %mul3A_425 in 1 : vector<2000x128xf32>, vector<2000x128xf32> -> vector<2000x256xf32>
    %convert_element_type3A_427 = arith.truncf %concatenate3A_426 : vector<2000x256xf32> to vector<2000x256xbf16>
    %get3A_428 = arith.constant 0 : index
    %get3A_429 = arith.constant 0 : index
    %get3A_430 = vector.load %arg27[%get3A_428, %get3A_429] : memref<256x256xbf16, #tpu.memory_space<vmem>>, vector<256x256xbf16>
    %dot_general3A_431 = arith.constant dense<0.000000e+00> : vector<2000x256xf32>
    %dot_general3A_432 = tpu.matmul %convert_element_type3A_427, %get3A_430, %dot_general3A_431 {dimension_numbers = #tpu.dot_dimension_numbers<[1], [0], [0], [1], [0, 0, 1, 1], [], []>, transpose_lhs_hint = false} : vector<2000x256xbf16>, vector<256x256xbf16>, vector<2000x256xf32> -> vector<2000x256xf32>
    %get3A_433 = arith.constant 0 : index
    %get3A_434 = arith.constant 0 : index
    %get3A_435 = vector.load %arg28[%get3A_433, %get3A_434] : memref<1x256xf32, #tpu.memory_space<vmem>>, vector<1x256xf32>
    %add3A_436 = vector.broadcast %get3A_435 : vector<1x256xf32> to vector<2000x256xf32>
    %add3A_437 = arith.addf %dot_general3A_432, %add3A_436 : vector<2000x256xf32>
    %ge3A_438 = arith.constant 0.000000e+00 : f32
    %ge3A_439 = vector.broadcast %ge3A_438 : f32 to vector<2000x256xf32>
    %ge3A_440 = arith.cmpf oge, %add3A_437, %ge3A_439 : vector<2000x256xf32>
    %mul3A_441 = arith.constant 0.00999999977 : f32
    %mul3A_442 = vector.broadcast %mul3A_441 : f32 to vector<2000x256xf32>
    %mul3A_443 = arith.mulf %mul3A_442, %add3A_437 : vector<2000x256xf32>
    %select_n3A_444 = arith.select %ge3A_440, %add3A_437, %mul3A_443 : vector<2000x256xi1>, vector<2000x256xf32>
    %get3A_445 = arith.constant 0 : index
    %get3A_446 = arith.constant 0 : index
    %get3A_447 = vector.load %arg29[%get3A_445, %get3A_446] : memref<256x16xf32, #tpu.memory_space<vmem>>, vector<256x16xf32>
    %get3A_448 = arith.constant 0 : index
    %get3A_449 = arith.constant 0 : index
    %get3A_450 = vector.load %arg30[%get3A_448, %get3A_449] : memref<1x16xf32, #tpu.memory_space<vmem>>, vector<1x16xf32>
    %get3A_451 = arith.constant 0 : index
    %get3A_452 = arith.constant 0 : index
    %get3A_453 = vector.load %arg31[%get3A_451, %get3A_452] : memref<16x256xf32, #tpu.memory_space<vmem>>, vector<16x256xf32>
    %get3A_454 = arith.constant 0 : index
    %get3A_455 = arith.constant 0 : index
    %get3A_456 = vector.load %arg32[%get3A_454, %get3A_455] : memref<1x256xf32, #tpu.memory_space<vmem>>, vector<1x256xf32>
    %dot_general3A_457 = arith.constant dense<0.000000e+00> : vector<2000x16xf32>
    %dot_general3A_458 = tpu.matmul %select_n3A_444, %get3A_447, %dot_general3A_457 {dimension_numbers = #tpu.dot_dimension_numbers<[1], [0], [0], [1], [0, 0, 1, 1], [], []>, transpose_lhs_hint = false} : vector<2000x256xf32>, vector<256x16xf32>, vector<2000x16xf32> -> vector<2000x16xf32>
    %add3A_459 = vector.broadcast %get3A_450 : vector<1x16xf32> to vector<2000x16xf32>
    %add3A_460 = arith.addf %dot_general3A_458, %add3A_459 : vector<2000x16xf32>
    %max3A_461 = arith.constant 0.000000e+00 : f32
    %max3A_462 = vector.broadcast %max3A_461 : f32 to vector<2000x16xf32>
    %max3A_463 = arith.maximumf %add3A_460, %max3A_462 : vector<2000x16xf32>
    %dot_general3A_464 = arith.constant dense<0.000000e+00> : vector<2000x256xf32>
    %dot_general3A_465 = tpu.matmul %max3A_463, %get3A_453, %dot_general3A_464 {dimension_numbers = #tpu.dot_dimension_numbers<[1], [0], [0], [1], [0, 0, 1, 1], [], []>, transpose_lhs_hint = false} : vector<2000x16xf32>, vector<16x256xf32>, vector<2000x256xf32> -> vector<2000x256xf32>
    %add3A_466 = vector.broadcast %get3A_456 : vector<1x256xf32> to vector<2000x256xf32>
    %add3A_467 = arith.addf %dot_general3A_465, %add3A_466 : vector<2000x256xf32>
    %mul3A_468 = arith.constant 3.000000e+00 : f32
    %mul3A_469 = vector.broadcast %mul3A_468 : f32 to vector<2000x256xf32>
    %mul3A_470 = arith.mulf %mul3A_469, %add3A_467 : vector<2000x256xf32>
    %neg3A_471 = arith.constant 0.000000e+00 : f32
    %neg3A_472 = vector.broadcast %neg3A_471 : f32 to vector<2000x256xf32>
    %neg3A_473 = arith.subf %neg3A_472, %mul3A_470 : vector<2000x256xf32>
    %exp3A_474 = math.exp %neg3A_473 : vector<2000x256xf32>
    %add3A_475 = arith.constant 1.000000e+00 : f32
    %add3A_476 = vector.broadcast %add3A_475 : f32 to vector<2000x256xf32>
    %add3A_477 = arith.addf %add3A_476, %exp3A_474 : vector<2000x256xf32>
    %div3A_478 = arith.constant 1.000000e+00 : f32
    %div3A_479 = vector.broadcast %div3A_478 : f32 to vector<2000x256xf32>
    %div3A_480 = arith.divf %div3A_479, %add3A_477 : vector<2000x256xf32>
    %mul3A_481 = arith.mulf %select_n3A_444, %div3A_480 : vector<2000x256xf32>
    %reduce_max3A_482 = arith.constant dense<0xFF800000> : vector<2000xf32>
    %reduce_max3A_483 = vector.multi_reduction <maximumf>, %mul3A_481, %reduce_max3A_482 [1] : vector<2000x256xf32> to vector<2000xf32>
    %broadcast_in_dim3A_484 = vector.shape_cast %reduce_max3A_483 : vector<2000xf32> to vector<2000x1xf32>
    %reduce_sum3A_485 = arith.constant dense<0.000000e+00> : vector<2000xf32>
    %reduce_sum3A_486 = vector.multi_reduction <add>, %mul3A_481, %reduce_sum3A_485 [1] : vector<2000x256xf32> to vector<2000xf32>
    %broadcast_in_dim3A_487 = vector.shape_cast %reduce_sum3A_486 : vector<2000xf32> to vector<2000x1xf32>
    %div3A_488 = arith.constant 2.560000e+02 : f32
    %div3A_489 = vector.broadcast %div3A_488 : f32 to vector<2000x1xf32>
    %div3A_490 = arith.divf %broadcast_in_dim3A_487, %div3A_489 : vector<2000x1xf32>
    %concatenate3A_491 = tpu.concatenate %broadcast_in_dim3A_484, %div3A_490 in 1 : vector<2000x1xf32>, vector<2000x1xf32> -> vector<2000x2xf32>
    %get3A_492 = arith.constant 0 : index
    %get3A_493 = arith.constant 0 : index
    %get3A_494 = vector.load %arg33[%get3A_492, %get3A_493] : memref<2x1xf32, #tpu.memory_space<vmem>>, vector<2x1xf32>
    %dot_general3A_495 = arith.constant dense<0.000000e+00> : vector<2000x1xf32>
    %dot_general3A_496 = tpu.matmul %concatenate3A_491, %get3A_494, %dot_general3A_495 {dimension_numbers = #tpu.dot_dimension_numbers<[1], [0], [0], [1], [0, 0, 1, 1], [], []>, transpose_lhs_hint = false} : vector<2000x2xf32>, vector<2x1xf32>, vector<2000x1xf32> -> vector<2000x1xf32>
    %get3A_497 = arith.constant 0 : index
    %get3A_498 = arith.constant 0 : index
    %get3A_499 = vector.load %arg34[%get3A_497, %get3A_498] : memref<1x1xf32, #tpu.memory_space<vmem>>, vector<1x1xf32>
    %add3A_500 = vector.broadcast %get3A_499 : vector<1x1xf32> to vector<2000x1xf32>
    %add3A_501 = arith.addf %dot_general3A_496, %add3A_500 : vector<2000x1xf32>
    %neg3A_502 = arith.constant 0.000000e+00 : f32
    %neg3A_503 = vector.broadcast %neg3A_502 : f32 to vector<2000x1xf32>
    %neg3A_504 = arith.subf %neg3A_503, %add3A_501 : vector<2000x1xf32>
    %exp3A_505 = math.exp %neg3A_504 : vector<2000x1xf32>
    %add3A_506 = arith.constant 1.000000e+00 : f32
    %add3A_507 = vector.broadcast %add3A_506 : f32 to vector<2000x1xf32>
    %add3A_508 = arith.addf %add3A_507, %exp3A_505 : vector<2000x1xf32>
    %div3A_509 = arith.constant 1.000000e+00 : f32
    %div3A_510 = vector.broadcast %div3A_509 : f32 to vector<2000x1xf32>
    %div3A_511 = arith.divf %div3A_510, %add3A_508 : vector<2000x1xf32>
    %mul3A_512 = vector.broadcast %div3A_511 : vector<2000x1xf32> to vector<2000x256xf32>
    %mul3A_513 = arith.mulf %mul3A_481, %mul3A_512 : vector<2000x256xf32>
    %convert_element_type3A_514 = arith.truncf %mul3A_513 : vector<2000x256xf32> to vector<2000x256xbf16>
    %get3A_515 = arith.constant 0 : index
    %get3A_516 = arith.constant 0 : index
    %get3A_517 = vector.load %arg35[%get3A_515, %get3A_516] : memref<256x64xbf16, #tpu.memory_space<vmem>>, vector<256x64xbf16>
    %dot_general3A_518 = arith.constant dense<0.000000e+00> : vector<2000x64xf32>
    %dot_general3A_519 = tpu.matmul %convert_element_type3A_514, %get3A_517, %dot_general3A_518 {dimension_numbers = #tpu.dot_dimension_numbers<[1], [0], [0], [1], [0, 0, 1, 1], [], []>, transpose_lhs_hint = false} : vector<2000x256xbf16>, vector<256x64xbf16>, vector<2000x64xf32> -> vector<2000x64xf32>
    %get3A_520 = arith.constant 0 : index
    %get3A_521 = arith.constant 0 : index
    %get3A_522 = vector.load %arg36[%get3A_520, %get3A_521] : memref<1x64xf32, #tpu.memory_space<vmem>>, vector<1x64xf32>
    %add3A_523 = vector.broadcast %get3A_522 : vector<1x64xf32> to vector<2000x64xf32>
    %add3A_524 = arith.addf %dot_general3A_519, %add3A_523 : vector<2000x64xf32>
    %ge3A_525 = arith.constant 0.000000e+00 : f32
    %ge3A_526 = vector.broadcast %ge3A_525 : f32 to vector<2000x64xf32>
    %ge3A_527 = arith.cmpf oge, %add3A_524, %ge3A_526 : vector<2000x64xf32>
    %mul3A_528 = arith.constant 0.00999999977 : f32
    %mul3A_529 = vector.broadcast %mul3A_528 : f32 to vector<2000x64xf32>
    %mul3A_530 = arith.mulf %mul3A_529, %add3A_524 : vector<2000x64xf32>
    %select_n3A_531 = arith.select %ge3A_527, %add3A_524, %mul3A_530 : vector<2000x64xi1>, vector<2000x64xf32>
    %swap3A = arith.constant 0 : index
    %swap3A_532 = arith.constant 0 : index
    %swap3A_533 = vector.load %arg37[%swap3A, %swap3A_532] : memref<2000x64xf32, #tpu.memory_space<vmem>>, vector<2000x64xf32>
    tpu.vector_store %arg37[%swap3A, %swap3A_532], %select_n3A_531 {strides = array<i32>} : memref<2000x64xf32, #tpu.memory_space<vmem>>, vector<2000x64xf32>,
    return
  }
  func.func @transform_0(%arg0: i32) -> (i32, i32) {
    %c0_i32 = arith.constant 0 : i32
    %c0_i32_0 = arith.constant 0 : i32
    return %arg0, %c0_i32 : i32, i32
  }
  func.func @transform_1(%arg0: i32) -> (i32, i32) {
    %c0_i32 = arith.constant 0 : i32
    %c0_i32_0 = arith.constant 0 : i32
    return %arg0, %c0_i32 : i32, i32
  }
  func.func @transform_2(%arg0: i32) -> (i32, i32) {
    %c0_i32 = arith.constant 0 : i32
    %c0_i32_0 = arith.constant 0 : i32
    return %arg0, %c0_i32 : i32, i32
  }
  func.func @transform_3(%arg0: i32) -> (i32, i32) {
    %c0_i32 = arith.constant 0 : i32
    %c0_i32_0 = arith.constant 0 : i32
    return %arg0, %c0_i32 : i32, i32
  }
  func.func @transform_4(%arg0: i32) -> (i32, i32) {
    %c0_i32 = arith.constant 0 : i32
    %c0_i32_0 = arith.constant 0 : i32
    %c0_i32_1 = arith.constant 0 : i32
    return %c0_i32, %c0_i32_0 : i32, i32
  }
  func.func @transform_5(%arg0: i32) -> (i32, i32) {
    %c0_i32 = arith.constant 0 : i32
    %c0_i32_0 = arith.constant 0 : i32
    %c0_i32_1 = arith.constant 0 : i32
    return %c0_i32, %c0_i32_0 : i32, i32
  }
  func.func @transform_6(%arg0: i32) -> (i32, i32) {
    %c0_i32 = arith.constant 0 : i32
    %c0_i32_0 = arith.constant 0 : i32
    %c0_i32_1 = arith.constant 0 : i32
    return %c0_i32, %c0_i32_0 : i32, i32
  }
  func.func @transform_7(%arg0: i32) -> (i32, i32) {
    %c0_i32 = arith.constant 0 : i32
    %c0_i32_0 = arith.constant 0 : i32
    %c0_i32_1 = arith.constant 0 : i32
    return %c0_i32, %c0_i32_0 : i32, i32
  }
  func.func @transform_8(%arg0: i32) -> (i32, i32) {
    %c0_i32 = arith.constant 0 : i32
    %c0_i32_0 = arith.constant 0 : i32
    %c0_i32_1 = arith.constant 0 : i32
    return %c0_i32, %c0_i32_0 : i32, i32
  }
  func.func @transform_9(%arg0: i32) -> (i32, i32) {
    %c0_i32 = arith.constant 0 : i32
    %c0_i32_0 = arith.constant 0 : i32
    %c0_i32_1 = arith.constant 0 : i32
    return %c0_i32, %c0_i32_0 : i32, i32
  }
  func.func @transform_10(%arg0: i32) -> (i32, i32) {
    %c0_i32 = arith.constant 0 : i32
    %c0_i32_0 = arith.constant 0 : i32
    %c0_i32_1 = arith.constant 0 : i32
    return %c0_i32, %c0_i32_0 : i32, i32
  }
  func.func @transform_11(%arg0: i32) -> (i32, i32) {
    %c0_i32 = arith.constant 0 : i32
    %c0_i32_0 = arith.constant 0 : i32
    %c0_i32_1 = arith.constant 0 : i32
    return %c0_i32, %c0_i32_0 : i32, i32
  }
  func.func @transform_12(%arg0: i32) -> (i32, i32) {
    %c0_i32 = arith.constant 0 : i32
    %c0_i32_0 = arith.constant 0 : i32
    %c0_i32_1 = arith.constant 0 : i32
    return %c0_i32, %c0_i32_0 : i32, i32
  }
  func.func @transform_13(%arg0: i32) -> (i32, i32) {
    %c0_i32 = arith.constant 0 : i32
    %c0_i32_0 = arith.constant 0 : i32
    %c0_i32_1 = arith.constant 0 : i32
    return %c0_i32, %c0_i32_0 : i32, i32
  }
  func.func @transform_14(%arg0: i32) -> (i32, i32) {
    %c0_i32 = arith.constant 0 : i32
    %c0_i32_0 = arith.constant 0 : i32
    %c0_i32_1 = arith.constant 0 : i32
    return %c0_i32, %c0_i32_0 : i32, i32
  }
  func.func @transform_15(%arg0: i32) -> (i32, i32) {
    %c0_i32 = arith.constant 0 : i32
    %c0_i32_0 = arith.constant 0 : i32
    %c0_i32_1 = arith.constant 0 : i32
    return %c0_i32, %c0_i32_0 : i32, i32
  }
  func.func @transform_16(%arg0: i32) -> (i32, i32) {
    %c0_i32 = arith.constant 0 : i32
    %c0_i32_0 = arith.constant 0 : i32
    %c0_i32_1 = arith.constant 0 : i32
    return %c0_i32, %c0_i32_0 : i32, i32
  }
  func.func @transform_17(%arg0: i32) -> (i32, i32) {
    %c0_i32 = arith.constant 0 : i32
    %c0_i32_0 = arith.constant 0 : i32
    %c0_i32_1 = arith.constant 0 : i32
    return %c0_i32, %c0_i32_0 : i32, i32
  }
  func.func @transform_18(%arg0: i32) -> (i32, i32) {
    %c0_i32 = arith.constant 0 : i32
    %c0_i32_0 = arith.constant 0 : i32
    %c0_i32_1 = arith.constant 0 : i32
    return %c0_i32, %c0_i32_0 : i32, i32
  }
  func.func @transform_19(%arg0: i32) -> (i32, i32) {
    %c0_i32 = arith.constant 0 : i32
    %c0_i32_0 = arith.constant 0 : i32
    %c0_i32_1 = arith.constant 0 : i32
    return %c0_i32, %c0_i32_0 : i32, i32
  }
  func.func @transform_20(%arg0: i32) -> (i32, i32) {
    %c0_i32 = arith.constant 0 : i32
    %c0_i32_0 = arith.constant 0 : i32
    %c0_i32_1 = arith.constant 0 : i32
    return %c0_i32, %c0_i32_0 : i32, i32
  }
  func.func @transform_21(%arg0: i32) -> (i32, i32) {
    %c0_i32 = arith.constant 0 : i32
    %c0_i32_0 = arith.constant 0 : i32
    %c0_i32_1 = arith.constant 0 : i32
    return %c0_i32, %c0_i32_0 : i32, i32
  }
  func.func @transform_22(%arg0: i32) -> (i32, i32) {
    %c0_i32 = arith.constant 0 : i32
    %c0_i32_0 = arith.constant 0 : i32
    %c0_i32_1 = arith.constant 0 : i32
    return %c0_i32, %c0_i32_0 : i32, i32
  }
  func.func @transform_23(%arg0: i32) -> (i32, i32) {
    %c0_i32 = arith.constant 0 : i32
    %c0_i32_0 = arith.constant 0 : i32
    %c0_i32_1 = arith.constant 0 : i32
    return %c0_i32, %c0_i32_0 : i32, i32
  }
  func.func @transform_24(%arg0: i32) -> (i32, i32) {
    %c0_i32 = arith.constant 0 : i32
    %c0_i32_0 = arith.constant 0 : i32
    %c0_i32_1 = arith.constant 0 : i32
    return %c0_i32, %c0_i32_0 : i32, i32
  }
  func.func @transform_25(%arg0: i32) -> (i32, i32) {
    %c0_i32 = arith.constant 0 : i32
    %c0_i32_0 = arith.constant 0 : i32
    %c0_i32_1 = arith.constant 0 : i32
    return %c0_i32, %c0_i32_0 : i32, i32
  }
  func.func @transform_26(%arg0: i32) -> (i32, i32) {
    %c0_i32 = arith.constant 0 : i32
    %c0_i32_0 = arith.constant 0 : i32
    %c0_i32_1 = arith.constant 0 : i32
    return %c0_i32, %c0_i32_0 : i32, i32
  }
  func.func @transform_27(%arg0: i32) -> (i32, i32) {
    %c0_i32 = arith.constant 0 : i32
    %c0_i32_0 = arith.constant 0 : i32
    %c0_i32_1 = arith.constant 0 : i32
    return %c0_i32, %c0_i32_0 : i32, i32
  }
  func.func @transform_28(%arg0: i32) -> (i32, i32) {
    %c0_i32 = arith.constant 0 : i32
    %c0_i32_0 = arith.constant 0 : i32
    %c0_i32_1 = arith.constant 0 : i32
    return %c0_i32, %c0_i32_0 : i32, i32
  }
  func.func @transform_29(%arg0: i32) -> (i32, i32) {
    %c0_i32 = arith.constant 0 : i32
    %c0_i32_0 = arith.constant 0 : i32
    %c0_i32_1 = arith.constant 0 : i32
    return %c0_i32, %c0_i32_0 : i32, i32
  }
  func.func @transform_30(%arg0: i32) -> (i32, i32) {
    %c0_i32 = arith.constant 0 : i32
    %c0_i32_0 = arith.constant 0 : i32
    %c0_i32_1 = arith.constant 0 : i32
    return %c0_i32, %c0_i32_0 : i32, i32
  }
  func.func @transform_31(%arg0: i32) -> (i32, i32) {
    %c0_i32 = arith.constant 0 : i32
    %c0_i32_0 = arith.constant 0 : i32
    %c0_i32_1 = arith.constant 0 : i32
    return %c0_i32, %c0_i32_0 : i32, i32
  }
  func.func @transform_32(%arg0: i32) -> (i32, i32) {
    %c0_i32 = arith.constant 0 : i32
    %c0_i32_0 = arith.constant 0 : i32
    %c0_i32_1 = arith.constant 0 : i32
    return %c0_i32, %c0_i32_0 : i32, i32
  }
  func.func @transform_33(%arg0: i32) -> (i32, i32) {
    %c0_i32 = arith.constant 0 : i32
    %c0_i32_0 = arith.constant 0 : i32
    %c0_i32_1 = arith.constant 0 : i32
    return %c0_i32, %c0_i32_0 : i32, i32
  }
  func.func @transform_34(%arg0: i32) -> (i32, i32) {
    %c0_i32 = arith.constant 0 : i32
    %c0_i32_0 = arith.constant 0 : i32
    %c0_i32_1 = arith.constant 0 : i32
    return %c0_i32, %c0_i32_0 : i32, i32
  }
  func.func @transform_35(%arg0: i32) -> (i32, i32) {
    %c0_i32 = arith.constant 0 : i32
    %c0_i32_0 = arith.constant 0 : i32
    %c0_i32_1 = arith.constant 0 : i32
    return %c0_i32, %c0_i32_0 : i32, i32
  }
  func.func @transform_36(%arg0: i32) -> (i32, i32) {
    %c0_i32 = arith.constant 0 : i32
    %c0_i32_0 = arith.constant 0 : i32
    return %arg0, %c0_i32 : i32, i32
  }
}

</mosaic_0001>

<sc_bundles>
// kernel: kernel.5.cloned.1.call-start
scs
__scs_entry_jumppad:
0x0: {  	(pc) =	sbr.rel $0x88, $3  }
0x1: {  	(tag) =	ssettag $0x0;
	lr =	simm.s32 $0x1  }
0x2: {  	[smem:$0x3F7A] =	sst lr;
	_ =	strace $0xD0000000  }
0x3: {  	_ = 	snop  }
0x4: {  	_ = 	snop  }
0x5: {  	_ = 	snop  }
0x6: {  	_ = 	snop  }
0x7: {  	_ = 	snop  }
__scs_overlays_trampoline_lowered:
0x8: {  	[smem:$0x3F89] =	sst s0  }
0x9: {  	[smem:$0x3F8A] =	sst s1  }
0xa: {  	[smem:$0x3F8B] =	sst s2  }
0xb: {  	[smem:$0x3F8C] =	sst s3  }
0xc: {  	[smem:$0x3F8D] =	sst s4  }
0xd: {  	[smem:$0x3F8E] =	sst s5  }
0xe: {  	[smem:$0x3F8F] =	sst s6  }
0xf: {  	[smem:$0x3F90] =	sst s7  }
0x10: {  	[smem:$0x3F91] =	sst s8  }
0x11: {  	[smem:$0x3F92] =	sst s9;
	s0 =	simm.s32 @!p0 $0x0  }
0x12: {  	s1 =	sld [smem:$0x3F78];
	s0 =	simm.s32 @p0 $0x1  }
0x13: {  	[smem:$0x3F93] =	sst s0;
	s0 =	simm.s32 @!p1 $0x0  }
0x14: {  	s2 =	sld [smem:$0x3F77];
	s0 =	simm.s32 @p1 $0x1  }
0x15: {  	[smem:$0x3F94] =	sst s0;
	s0 =	simm.s32 @!p2 $0x0  }
0x16: {  	s3 =	sld [smem:$0x3FDB];
	s0 =	simm.s32 @p2 $0x1  }
0x17: {  	s4 =	simm.s32 $0x1BF5;
	[smem:$0x3F96] =	sst s0  }
0x18: {  	s0 =	sld [smem:$0x3F79];
	_ =	swait.ge [sflag:s4], $0x0  }
0x19: {  	s7 =	sld [smem:$0x3F7A]  }
0x1a: {  	s8 =	sadd.s32 $0xFFFFE003, lr  }
0x1b: {  	s9 =	sadd.s32 $0xFFFFFEF7, lr;
	s5 =	simm.s32 $0xFFFFFFFF;
	p2 =	slt.u32 s8, $0xFFFFF086  }
0x1c: {  	p1 =	slt.u32 s9, $0xF7A;
	s5 =	simm.s32 @!p2 $0x0  }
0x1d: {  	s5 =	simm.s32 @p1 $0x1;
	p0 =	seq.s32 s7, s2  }
0x1e: {  	s7 =	smul.u32 @!p0 $0xF7A, s2;
	p2 =	seq.s32 @!p0 s5, $0x0  }
0x1f: {  	s9 =	smul.u32 $0xF7A, s1;
	s8 =	simm.s32 @!p0 $0x1BF5;
	p2 =	por !p2, p0  }
0x20: {  	[sflag:s8] =	ssyncset.s32 @!p0 $0xFFFFF086;
	s6 =	sadd.s32 @!p0 s3, s7;
	s7 =	simm.s32 @!p0 $0x108  }
0x21: {  	s3 =	sadd.s32 s3, s9;
	s6 =	sadd.s32 @!p0 $0x88, s6;
	s7 =	simm.s32 @p2 $0x1082  }
0x22: {  	[simem:s7], [sflag:s8] =	dma.local @!p0 [hbm:s6], $0xF7A  }
0x23: {  	s9 =	sor.u32 $0xD0000000, s2;
	s6 =	simm.s32 $0x108;
	_ =	swait.ge @!p0 [sflag:s8], $0x0  }
0x24: {  	s3 =	sadd.s32 $0x88, s3;
	s6 =	simm.s32 @!p1 $0x1082;
	[sflag:s4] =	ssyncset.s32 $0xFFFFF086  }
0x25: {  	[simem:s6], [sflag:s4] =	dma.local [hbm:s3], $0xF7A  }
0x26: {  	[smem:$0x3F7A] =	sst s1;
	(tag) =	ssettag s2;
	_ =	strace s9  }
0x27: {  	s1 =	sld [smem:$0x3F8A]  }
0x28: {  	s2 =	sld [smem:$0x3F8B]  }
0x29: {  	s4 =	sld [smem:$0x3F8D]  }
0x2a: {  	p0 =	seq.s32 s5, $0x0;
	s5 =	sld [smem:$0x3F8E]  }
0x2b: {  	s6 =	sld [smem:$0x3F8F]  }
0x2c: {  	s7 =	sld [smem:$0x3F90]  }
0x2d: {  	s3 =	simm.s32 $0x108;
	s8 =	sld [smem:$0x3F91]  }
0x2e: {  	s3 =	simm.s32 @!p0 $0x1082;
	s9 =	sld [smem:$0x3F92]  }
0x2f: {  	lr =	sadd.s32 s0, s3;
	s0 =	sld [smem:$0x3F89]  }
0x30: {  	s3 =	sld [smem:$0x3F8C]  }
0x31: {  	[smem:$0x3F95] =	sst s10  }
0x32: {  	s10 =	sld [smem:$0x3F93];
	_ =	sdelay $0x3  }
0x33: {  	p0 =	seq.s32 s10, $0x1;
	s10 =	sld [smem:$0x3F95];
	_ =	sdelay $0x3  }
0x34: {  	[smem:$0x3F95] =	sst s10  }
0x35: {  	s10 =	sld [smem:$0x3F94];
	_ =	sdelay $0x3  }
0x36: {  	p1 =	seq.s32 s10, $0x1;
	s10 =	sld [smem:$0x3F95];
	_ =	sdelay $0x3  }
0x37: {  	[smem:$0x3F95] =	sst s10  }
0x38: {  	s10 =	sld [smem:$0x3F96]  }
0x39: {  	_ = 	snop;
	(pc) =	sbr.ind lr, $3  }
0x3a: {  	_ = 	snop  }
0x3b: {  	_ = 	snop  }
0x3c: {  	p2 =	seq.s32 s10, $0x1;
	s10 =	sld [smem:$0x3F95]  }
0x3d: {  	_ =	shalt  }
0x3e: {  	_ =	shalt  }
0x3f: {  	_ =	shalt  }
0x40: {  	_ =	shalt  }
0x41: {  	_ =	shalt  }
0x42: {  	_ =	shalt  }
0x43: {  	_ =	shalt  }
0x44: {  	_ =	shalt  }
0x45: {  	_ =	shalt  }
0x46: {  	_ =	shalt  }
0x47: {  	_ =	shalt  }
0x48: {  	_ =	shalt  }
0x49: {  	_ =	shalt  }
0x4a: {  	_ =	shalt  }
0x4b: {  	_ =	shalt  }
0x4c: {  	_ =	shalt  }
0x4d: {  	_ =	shalt  }
0x4e: {  	_ =	shalt  }
0x4f: {  	_ =	shalt  }
0x50: {  	_ =	shalt  }
0x51: {  	_ =	shalt  }
0x52: {  	_ =	shalt  }
0x53: {  	_ =	shalt  }
0x54: {  	_ =	shalt  }
0x55: {  	_ =	shalt  }
0x56: {  	_ =	shalt  }
0x57: {  	_ =	shalt  }
0x58: {  	_ =	shalt  }
0x59: {  	_ =	shalt  }
0x5a: {  	_ =	shalt  }
0x5b: {  	_ =	shalt  }
0x5c: {  	_ =	shalt  }
0x5d: {  	_ =	shalt  }
0x5e: {  	_ =	shalt  }
0x5f: {  	_ =	shalt  }
0x60: {  	_ =	shalt  }
0x61: {  	_ =	shalt  }
0x62: {  	_ =	shalt  }
0x63: {  	_ =	shalt  }
0x64: {  	_ =	shalt  }
0x65: {  	_ =	shalt  }
0x66: {  	_ =	shalt  }
0x67: {  	_ =	shalt  }
0x68: {  	_ =	shalt  }
0x69: {  	_ =	shalt  }
0x6a: {  	_ =	shalt  }
0x6b: {  	_ =	shalt  }
0x6c: {  	_ =	shalt  }
0x6d: {  	_ =	shalt  }
0x6e: {  	_ =	shalt  }
0x6f: {  	_ =	shalt  }
0x70: {  	_ =	shalt  }
0x71: {  	_ =	shalt  }
0x72: {  	_ =	shalt  }
0x73: {  	_ =	shalt  }
0x74: {  	_ =	shalt  }
0x75: {  	_ =	shalt  }
0x76: {  	_ =	shalt  }
0x77: {  	_ =	shalt  }
0x78: {  	_ =	shalt  }
0x79: {  	_ =	shalt  }
0x7a: {  	_ =	shalt  }
0x7b: {  	_ =	shalt  }
0x7c: {  	_ =	shalt  }
0x7d: {  	_ =	shalt  }
0x7e: {  	_ =	shalt  }
0x7f: {  	_ =	shalt  }
0x80: {  	_ =	shalt  }
0x81: {  	_ =	shalt  }
0x82: {  	_ =	shalt  }
0x83: {  	_ =	shalt  }
0x84: {  	_ =	shalt  }
0x85: {  	_ =	shalt  }
0x86: {  	_ =	shalt  }
0x87: {  	_ =	shalt  }
.Lfunc_end0:
.L_simem_size_0:
called_computation_lowered:
.L_overlay_start_0:
0x88: {  	s2 =	sld [smem:$0x3FD9]  }
0x89: {  	s3 =	sld [smem:$0x3FFE];
	_ =	sdelay $0x1  }
0x8a: {  	s1 =	srdreg.scid  }
0x8b: {  	s0 =	sand.u32 $0x1, s1  }
0x8c: {  	s16 =	sshll.u32 s0, $0xA;
	s2 =	sadd.s32 s3, s2  }
0x8d: {  	s2 =	sadd.s32 s2, s16  }
0x8e: {  	[smem:$0x3FA1] =	sst s2  }
0x8f: {  	_ = 	snop  }
0x90: {  	(tm) =	ssettm $0x1  }
0x91: {  	s17 =	sld [smem:$0x3FFB];
	_ =	sdelay $0x3  }
0x92: {  	_ =	strace s17  }
0x93: {  	s2 =	sld [smem:$0x3FFC];
	_ =	sdelay $0x3  }
0x94: {  	_ =	strace s2  }
0x95: {  	s2 =	sld [smem:$0x3FFD];
	_ =	sdelay $0x3  }
0x96: {  	_ =	strace s2  }
0x97: {  	_ =	strace $0x8FFFFFFF  }
0x98: {  	s18 =	sld [smem:$0x3FDB];
	_ =	sdelay $0x1  }
0x99: {  	s19 =	simm.s32 $_scs_section_size  }
0x9a: {  	s4 =	simm.s32 $_size__tile_overlayer_lowered;
	s5 =	simm.s32 $_tile_overlayer_lowered  }
0x9b: {  	s22 =	simm.s32 $0x1BFF;
	s21 =	sshll.u32 s5, $0x1;
	s2 =	sadd.s32 s19, s18  }
0x9c: {  	s6 =	simm.s32 $0x0;
	s20 =	sshll.u32 s4, $0x1;
	s4 =	sadd.s32 s21, s2  }
0x9d: {  	[timem:s6], [sflag:s22] =	dma.local [hbm:s4], s20  }
0x9e: {  	_ =	swait.ge [sflag:s22], s20  }
0x9f: {  	s3 =	ssub.s32 $0x0, s20;
	[sflag:s22] =	ssyncset.done $0x0  }
0xa0: {  	[sflag:s22] =	ssyncadd.s32 s3;
	_ =	sdelay $0x1  }
0xa1: {  	s23 =	simm.s32 $0x1B8B  }
0xa2: {  	_ =	swait.ge [sflag:s23], $0x1  }
0xa3: {  	[sflag:s23] =	ssyncset.done $0x0  }
0xa4: {  	s25 =	simm.s32 $0x1B8E;
	s24 =	sld [smem:$0x3FFE];
	[sflag:s23] =	ssyncadd.s32 $0xFFFFFFFF  }
0xa5: {  	s26 =	simm.s32 $execute0_lowered;
	[smem:$0x3FD2] =	sst s25  }
0xa6: {  	s4 =	sshll.u32 s26, $0x1;
	_ =	strace $0x80000046;
	[dreg:$0x1] =	wrdreg $0xFFFFFFFF  }
0xa7: {  	s28 =	simm.s32 $_size_execute0_lowered;
	s2 =	sadd.s32 s2, s4;
	[dreg:$0x0] =	wrdreg $0x0  }
0xa8: {  	s4 =	sshll.u32 s28, $0x1;
	[dreg:$0x2] =	wrdreg s2  }
0xa9: {  	[dreg:$0x3] =	wrdreg s4  }
0xaa: {  	[dreg:$0x4] =	wrdreg $0xC0  }
0xab: {  	_ =	task [dreg:s6], $0x5FFFF  }
0xac: {  	[dreg:$0x1] =	wrdreg $0xFFFFFFFF  }
0xad: {  	[dreg:$0x0] =	wrdreg $0x60  }
0xae: {  	[dreg:$0x2] =	wrdreg s24  }
0xaf: {  	[dreg:$0x3] =	wrdreg $0x62000  }
0xb0: {  	[dreg:$0x4] =	wrdreg $0x9  }
0xb1: {  	_ =	task.clear_ibuf [dreg:s6], $0x5FFFF;
	_ =	strace $0x90000046  }
0xb2: {  	s29 =	simm.s32 $0x9;
	_ =	strace $0x80000048  }
0xb3: {  	_ =	swait.ge [sflag:s29], $0x1  }
0xb4: {  	[sflag:s29] =	ssyncadd.s32 $0xFFFFFFFF  }
0xb5: {  	_ =	strace $0x90000048  }
0xb6: {  	_ =	sfence  }
0xb7: {  	s30 =	sld [smem:$0x0];
	_ =	sdelay $0x2  }
0xb8: {  	s31 =	sshll.u32 s1, $0xD;
	s1 =	sshrl.u32 s1, $0x2  }
0xb9: {  	s3 =	sand.u32 $0x4000, s31;
	s1 =	sadd.s32 s1, s30  }
0xba: {  	s0 =	sor.u32 s3, s0;
	s1 =	sshll.u32 s1, $0x11  }
0xbb: {  	s0 =	sor.u32 s1, s0  }
0xbc: {  	s0 =	sadd.s32 $0x8F2B, s0  }
0xbd: {  	[sflag:s0] =	ssyncadd.remote.s32 $0x1  }
0xbe: {  	_ =	sfence.sel $0xFFFF  }
0xbf: {  	[dreg:$0x0] =	wrdreg $0xFFFFFFFF;
	(pc) =	sbr.abs _section_cstart, $3  }
0xc0: {  	[dreg:$0x1] =	wrdreg $0xFFFFFFFF  }
0xc1: {  	_ =	task.clear_ibuf [dreg:s6], $0x2FFFF;
	_ =	strace $0x9FFFFFFF  }
0xc2: {  	(tm) =	ssettm $0x7FFFFFFF  }
0xc3: {  	_ =	shalt  }
tec
execute0_lowered:
.L_overlay_start_1:
0x0: {  	(tag) =	ssettag $0x1  }
0x1: {  	s0 =	rddreg [dreg:$0x0]  }
0x2: {  	s2 =	rddreg [dreg:$0x1];
	s1 =	srdreg.scid  }
0x3: {  	s10 =	stileid.u32;
	s3 =	simm.s32 $0x0;
	s20 =	simm.s32 $0x200  }
0x4: {  	s28 =	simm.s32 $0x1;
	s29 =	simm.s32 $0x80;
	s30 =	simm.s32 $0x2  }
0x5: {  	s31 =	simm.s32 $0x180;
	s1 =	sand.u32 $0x1, s1;
	s6 =	smul.u32 $0x2800, s10  }
0x6: {  	[smem:$0x7FF] =	sst s3;
	s4 =	sadd.s32 $0x3A000, s0;
	s8 =	smul.u32 $0x50000, s10  }
0x7: {  	s5 =	sadd.s32 $0x5800, s0;
	s21 =	sshll.u32 s10, $0x1;
	s7 =	smul.u32 $0x28000, s1  }
0x8: {  	s13 =	smul.u32 $0x1A400, s10;
	_ =	strace $0x80000047;
	s22 =	ssub.s32 $0x2, s1  }
0x9: {  	s9 =	sshrl.u32 s22, $0x1;
	s8 =	sshrl.u32 s8, $0x2;
	s6 =	sadd.s32 s6, s7  }
0xa: {  	s7 =	sor.u32 s1, s21;
	s17 =	ssub.s32 s22, s9;
	s1 =	smul.u32 $0xD200, s1  }
0xb: {  	s21 =	simm.s32 $0x5;
	s22 =	simm.s32 $0x3;
	s0 =	sadd.s32 s6, s0  }
0xc: {  	s7 =	smul.u32 $0xD200, s7;
	s6 =	sadd.s32 s8, s2;
	s17 =	smax.u32 s17, $0x1  }
0xd: {  	s8 =	sadd.s32 $0x3000, s6;
	s23 =	sadd.s32 $0x6000, s6;
	s24 =	sadd.s32 $0x9000, s6  }
0xe: {  	s10 =	sadd.s32 $0xC000, s6;
	s11 =	sadd.s32 $0xF000, s6;
	[dreg:$0x3] =	wrdreg s8  }
0xf: {  	s1 =	sadd.s32 s1, s13;
	s16 =	sadd.s32 $0x61200, s0;
	[dreg:$0x4] =	wrdreg s23  }
0x10: {  	s0 =	simm.s32 $0x0;
	[dreg:$0x5] =	wrdreg s24;
	s7 =	sshrl.u32 s7, $0x3  }
0x11: {  	s25 =	sadd.s32 $0x300, s1;
	s23 =	simm.s32 $0x100;
	s24 =	simm.s32 $0x4  }
0x12: {  	s12 =	sadd.s32 s5, s7;
	s26 =	sshrl.u32 s25, $0x3;
	s7 =	sadd.s32 $0x200, s1  }
0x13: {  	s25 =	simm.s32 $0x60;
	s13 =	sadd.s32 $0x20, s12;
	s14 =	sadd.s32 $0x1A00, s12  }
0x14: {  	v0 =	vimm.f32 $0.0e+00;
	s15 =	sadd.s32 $0x1A20, s12;
	s18 =	sadd.s32 s26, s5;
	s26 =	simm.s32 $0x3200  }
.LBB2_1:
0x15: {  	s1 =	simm.s32 $0x0;
	s19 =	simm.s32 $0x200  }
.LBB2_2:
0x16: {  	p0 =	sne.s32 s19, $0xBE00;
	[tilespmem:s1+$0x270] =	vst v0  }
0x17: {  	[tilespmem:s1+$0x200] =	vst v0  }
0x18: {  	[tilespmem:s1+$0x210] =	vst v0  }
.Ltmp0:
0x19: {  	[tilespmem:s1+$0x220] =	vst v0;
	(pc) =	sbr.rel @p0 .LBB2_2-.Ltmp0, $4  }
0x1a: {  	[tilespmem:s1+$0x230] =	vst v0  }
0x1b: {  	[tilespmem:s1+$0x240] =	vst v0  }
0x1c: {  	[tilespmem:s1+$0x250] =	vst v0  }
0x1d: {  	[tilespmem:s1+$0x260] =	vst v0;
	s1 =	sshra.s32 s19, $0x2;
	s19 =	sadd.s32 $0x200, s19  }
0x1e: {  	[tilespmem:s1+$0x270] =	vst v0  }
0x1f: {  	[tilespmem:s1+$0x200] =	vst v0  }
0x20: {  	[tilespmem:s1+$0x210] =	vst v0  }
0x21: {  	[tilespmem:s1+$0x220] =	vst v0  }
0x22: {  	[tilespmem:s1+$0x230] =	vst v0  }
0x23: {  	[tilespmem:s1+$0x240] =	vst v0  }
0x24: {  	[tilespmem:s1+$0x250] =	vst v0  }
0x25: {  	[tilespmem:s1+$0x260] =	vst v0  }
0x26: {  	[spmem:s6] =	stream.linear.scatter [tilespmem:s20], [sflag:$0x5], $0x3000, $0x38;
	[tilespmem:$0x1A200] =	vst v63  }
0x27: {  	_ =	swait.ge [sflag:s21], $0x3000  }
0x28: {  	[sflag:s21] =	ssyncset.done $0x0  }
0x29: {  	s8 =	rddreg [dreg:$0x3];
	[sflag:s21] =	ssyncadd.s32 $0xFFFFD000  }
0x2a: {  	[spmem:s8] =	stream.linear.scatter [tilespmem:s20], [sflag:$0x5], $0x3000, $0x38;
	[tilespmem:$0x1A200] =	vst v63  }
0x2b: {  	_ =	swait.ge [sflag:s21], $0x3000  }
0x2c: {  	[sflag:s21] =	ssyncset.done $0x0  }
0x2d: {  	s9 =	rddreg [dreg:$0x4];
	[sflag:s21] =	ssyncadd.s32 $0xFFFFD000  }
0x2e: {  	[spmem:s9] =	stream.linear.scatter [tilespmem:s20], [sflag:$0x5], $0x3000, $0x38;
	[tilespmem:$0x1A200] =	vst v63  }
0x2f: {  	_ =	swait.ge [sflag:s21], $0x3000  }
0x30: {  	[sflag:s21] =	ssyncset.done $0x0  }
0x31: {  	s19 =	rddreg [dreg:$0x5];
	[sflag:s21] =	ssyncadd.s32 $0xFFFFD000  }
0x32: {  	[spmem:s19] =	stream.linear.scatter [tilespmem:s20], [sflag:$0x5], $0x3000, $0x38;
	[tilespmem:$0x1A200] =	vst v63  }
0x33: {  	_ =	swait.ge [sflag:s21], $0x3000  }
0x34: {  	[sflag:s21] =	ssyncset.done $0x0  }
0x35: {  	[sflag:s21] =	ssyncadd.s32 $0xFFFFD000  }
0x36: {  	[spmem:s10] =	stream.linear.scatter [tilespmem:s20], [sflag:$0x5], $0x3000, $0x38;
	[tilespmem:$0x1A200] =	vst v63  }
0x37: {  	_ =	swait.ge [sflag:s21], $0x3000  }
0x38: {  	[sflag:s21] =	ssyncset.done $0x0  }
0x39: {  	[sflag:s21] =	ssyncadd.s32 $0xFFFFD000  }
0x3a: {  	[spmem:s11] =	stream.linear.scatter [tilespmem:s20], [sflag:$0x5], $0x3000, $0x38;
	[tilespmem:$0x1A200] =	vst v63  }
0x3b: {  	_ =	swait.ge [sflag:s21], $0x3000  }
0x3c: {  	[sflag:s21] =	ssyncset.done $0x0  }
0x3d: {  	[sflag:s21] =	ssyncadd.s32 $0xFFFFD000  }
0x3e: {  	s8 =	simm.s32 $0x0;
	[bflag:$0x0] =	sbarrier.arrive $0xFFFF  }
0x3f: {  	[tilespmem:s8], [sflag:$0x3] =	stream.linear.gather [hbm4b:s12+s8], $0x100, $0x38;
	[tilespmem:$0x1A200] =	vst v63  }
0x40: {  	_ =	swait.ge [sflag:s22], $0x100  }
0x41: {  	[sflag:s22] =	ssyncset.done $0x0  }
0x42: {  	[sflag:s22] =	ssyncadd.s32 $0xFFFFFF00  }
0x43: {  	[tilespmem:s23], [sflag:$0x4] =	stream.linear.gather [hbm4b:s13+s8], $0x100, $0x38;
	[tilespmem:$0x1A200] =	vst v63  }
0x44: {  	_ =	swait.ge [sflag:s24], $0x100  }
0x45: {  	[sflag:s24] =	ssyncset.done $0x0  }
0x46: {  	[sflag:s24] =	ssyncadd.s32 $0xFFFFFF00  }
0x47: {  	[tilespmem:s20], [sflag:$0x1] =	stream.indirect.gather [hbm4b:s4+s25], $0x80, s8, s25, $0xb8;
	[tilespmem:$0x1A200] =	vst v63  }
0x48: {  	_ = 	snop  }
0x49: {  	[tilespmem:s26], [sflag:$0x2] =	stream.indirect.gather [hbm4b:s4+s25], $0x80, s23, s25, $0xb8;
	[tilespmem:$0x1A200] =	vst v63  }
0x4a: {  	_ =	swait.ge [sflag:s28], $0x3000  }
0x4b: {  	[sflag:s28] =	ssyncset.done $0x0  }
0x4c: {  	[sflag:s28] =	ssyncadd.s32 $0xFFFFD000  }
0x4d: {  	[spmem:s2] =	stream.indirect.scatter.add.f32 [tilespmem:s20], [sflag:$0x5], $0x80, s29, s25, $0xb8;
	[tilespmem:$0x1A200] =	vst v63  }
0x4e: {  	_ =	swait.ge [sflag:s21], $0x3000  }
0x4f: {  	s9 =	sshrl.u32 s7, $0x3;
	[sflag:s21] =	ssyncset.done $0x0  }
0x50: {  	s1 =	sadd.s32 s5, s9;
	[sflag:s21] =	ssyncadd.s32 $0xFFFFD000  }
0x51: {  	[tilespmem:s3], [sflag:$0x3] =	stream.linear.gather [hbm4b:s1+s3], $0x100, $0x38;
	[tilespmem:$0x1A200] =	vst v63  }
0x52: {  	_ =	swait.ge [sflag:s22], $0x100  }
0x53: {  	[sflag:s22] =	ssyncset.done $0x0  }
0x54: {  	[sflag:s22] =	ssyncadd.s32 $0xFFFFFF00  }
0x55: {  	[tilespmem:s20], [sflag:$0x1] =	stream.indirect.gather [hbm4b:s4+s25], $0x80, s3, s25, $0xb8;
	[tilespmem:$0x1A200] =	vst v63  }
0x56: {  	_ =	swait.ge [sflag:s30], $0x3000  }
0x57: {  	[sflag:s30] =	ssyncset.done $0x0  }
0x58: {  	[sflag:s30] =	ssyncadd.s32 $0xFFFFD000  }
0x59: {  	[spmem:s2] =	stream.indirect.scatter.add.f32 [tilespmem:s26], [sflag:$0x5], $0x80, s31, s25, $0xb8;
	[tilespmem:$0x1A200] =	vst v63  }
0x5a: {  	_ =	swait.ge [sflag:s21], $0x3000  }
0x5b: {  	[sflag:s21] =	ssyncset.done $0x0  }
0x5c: {  	s19 =	sadd.s32 $0x0, s18;
	[sflag:s21] =	ssyncadd.s32 $0xFFFFD000  }
0x5d: {  	[tilespmem:s23], [sflag:$0x4] =	stream.linear.gather [hbm4b:s19+s3], $0x100, $0x38;
	[tilespmem:$0x1A200] =	vst v63  }
0x5e: {  	_ =	swait.ge [sflag:s24], $0x100  }
0x5f: {  	s1 =	simm.s32 $0x40;
	s19 =	smov.u32 s7;
	[sflag:s24] =	ssyncset.done $0x0  }
.LBB2_4:
0x60: {  	p0 =	sne.s32 s1, $0x1980;
	[sflag:s24] =	ssyncadd.s32 $0xFFFFFF00;
	s19 =	sadd.s32 $0x200, s19  }
0x61: {  	[tilespmem:s26], [sflag:$0x2] =	stream.indirect.gather [hbm4b:s4+s25], $0x80, s23, s25, $0xb8;
	[tilespmem:$0x1A200] =	vst v63  }
0x62: {  	s8 =	smov.u32 s1;
	s1 =	sadd.s32 $0x40, s1;
	_ =	swait.ge [sflag:s28], $0x3000  }
0x63: {  	[sflag:s28] =	ssyncset.done $0x0  }
0x64: {  	[sflag:s28] =	ssyncadd.s32 $0xFFFFD000  }
0x65: {  	[spmem:s2] =	stream.indirect.scatter.add.f32 [tilespmem:s20], [sflag:$0x5], $0x80, s29, s25, $0xb8;
	[tilespmem:$0x1A200] =	vst v63  }
0x66: {  	_ =	swait.ge [sflag:s21], $0x3000  }
0x67: {  	s9 =	sshrl.u32 s19, $0x3;
	[sflag:s21] =	ssyncset.done $0x0  }
0x68: {  	s9 =	sadd.s32 s5, s9;
	[sflag:s21] =	ssyncadd.s32 $0xFFFFD000  }
0x69: {  	[tilespmem:s3], [sflag:$0x3] =	stream.linear.gather [hbm4b:s9+s3], $0x100, $0x38;
	[tilespmem:$0x1A200] =	vst v63  }
0x6a: {  	_ =	swait.ge [sflag:s22], $0x100  }
0x6b: {  	[sflag:s22] =	ssyncset.done $0x0  }
0x6c: {  	[sflag:s22] =	ssyncadd.s32 $0xFFFFFF00  }
0x6d: {  	[tilespmem:s20], [sflag:$0x1] =	stream.indirect.gather [hbm4b:s4+s25], $0x80, s3, s25, $0xb8;
	[tilespmem:$0x1A200] =	vst v63  }
0x6e: {  	_ =	swait.ge [sflag:s30], $0x3000  }
0x6f: {  	[sflag:s30] =	ssyncset.done $0x0  }
0x70: {  	[sflag:s30] =	ssyncadd.s32 $0xFFFFD000  }
0x71: {  	[spmem:s2] =	stream.indirect.scatter.add.f32 [tilespmem:s26], [sflag:$0x5], $0x80, s31, s25, $0xb8;
	[tilespmem:$0x1A200] =	vst v63  }
0x72: {  	_ =	swait.ge [sflag:s21], $0x3000  }
.Ltmp1:
0x73: {  	[sflag:s21] =	ssyncset.done $0x0;
	(pc) =	sbr.rel @p0 .LBB2_4-.Ltmp1, $4  }
0x74: {  	s8 =	sadd.s32 s8, s18;
	[sflag:s21] =	ssyncadd.s32 $0xFFFFD000  }
0x75: {  	[tilespmem:s23], [sflag:$0x4] =	stream.linear.gather [hbm4b:s8+s3], $0x100, $0x38;
	[tilespmem:$0x1A200] =	vst v63  }
0x76: {  	_ =	swait.ge [sflag:s24], $0x100  }
0x77: {  	[sflag:s24] =	ssyncset.done $0x0  }
0x78: {  	[sflag:s24] =	ssyncadd.s32 $0xFFFFFF00  }
0x79: {  	[tilespmem:s26], [sflag:$0x2] =	stream.indirect.gather [hbm4b:s4+s25], $0x80, s23, s25, $0xb8;
	[tilespmem:$0x1A200] =	vst v63  }
0x7a: {  	_ =	swait.ge [sflag:s28], $0x3000  }
0x7b: {  	[sflag:s28] =	ssyncset.done $0x0  }
0x7c: {  	[sflag:s28] =	ssyncadd.s32 $0xFFFFD000  }
0x7d: {  	[spmem:s2] =	stream.indirect.scatter.add.f32 [tilespmem:s20], [sflag:$0x5], $0x80, s29, s25, $0xb8;
	[tilespmem:$0x1A200] =	vst v63  }
0x7e: {  	_ =	swait.ge [sflag:s21], $0x3000  }
0x7f: {  	[sflag:s21] =	ssyncset.done $0x0  }
0x80: {  	[sflag:s21] =	ssyncadd.s32 $0xFFFFD000  }
0x81: {  	[tilespmem:s3], [sflag:$0x3] =	stream.linear.gather [hbm4b:s14+s3], $0x100, $0x38;
	[tilespmem:$0x1A200] =	vst v63  }
0x82: {  	_ =	swait.ge [sflag:s22], $0x100  }
0x83: {  	[sflag:s22] =	ssyncset.done $0x0  }
0x84: {  	[sflag:s22] =	ssyncadd.s32 $0xFFFFFF00  }
0x85: {  	[tilespmem:s20], [sflag:$0x1] =	stream.indirect.gather [hbm4b:s4+s25], $0x80, s3, s25, $0xb8;
	[tilespmem:$0x1A200] =	vst v63  }
0x86: {  	_ =	swait.ge [sflag:s30], $0x3000  }
0x87: {  	[sflag:s30] =	ssyncset.done $0x0  }
0x88: {  	[sflag:s30] =	ssyncadd.s32 $0xFFFFD000  }
0x89: {  	[spmem:s2] =	stream.indirect.scatter.add.f32 [tilespmem:s26], [sflag:$0x5], $0x80, s31, s25, $0xb8;
	[tilespmem:$0x1A200] =	vst v63  }
0x8a: {  	_ =	swait.ge [sflag:s21], $0x3000  }
0x8b: {  	[sflag:s21] =	ssyncset.done $0x0  }
0x8c: {  	[sflag:s21] =	ssyncadd.s32 $0xFFFFD000  }
0x8d: {  	[tilespmem:s23], [sflag:$0x4] =	stream.linear.gather [hbm4b:s15+s3], $0x100, $0x38;
	[tilespmem:$0x1A200] =	vst v63  }
0x8e: {  	_ =	swait.ge [sflag:s24], $0x100  }
0x8f: {  	[sflag:s24] =	ssyncset.done $0x0  }
0x90: {  	[sflag:s24] =	ssyncadd.s32 $0xFFFFFF00  }
0x91: {  	_ =	swait.ge [sflag:s28], $0x3000  }
0x92: {  	[sflag:s28] =	ssyncset.done $0x0  }
0x93: {  	[sflag:s28] =	ssyncadd.s32 $0xFFFFD000  }
0x94: {  	[tilespmem:s26], [sflag:$0x2] =	stream.indirect.gather [hbm4b:s4+s25], $0x80, s23, s25, $0xb8;
	[tilespmem:$0x1A200] =	vst v63  }
0x95: {  	_ = 	snop  }
0x96: {  	[spmem:s2] =	stream.indirect.scatter.add.f32 [tilespmem:s20], [sflag:$0x5], $0x80, s29, s25, $0xb8;
	[tilespmem:$0x1A200] =	vst v63  }
0x97: {  	_ =	swait.ge [sflag:s21], $0x3000  }
0x98: {  	[sflag:s21] =	ssyncset.done $0x0  }
0x99: {  	[sflag:s21] =	ssyncadd.s32 $0xFFFFD000  }
0x9a: {  	_ =	swait.ge [sflag:s30], $0x3000  }
0x9b: {  	[sflag:s30] =	ssyncset.done $0x0  }
0x9c: {  	[sflag:s30] =	ssyncadd.s32 $0xFFFFD000  }
0x9d: {  	[spmem:s2] =	stream.indirect.scatter.add.f32 [tilespmem:s26], [sflag:$0x5], $0x80, s31, s25, $0xb8;
	[tilespmem:$0x1A200] =	vst v63  }
0x9e: {  	s1 =	stileid.u32;
	_ =	swait.ge [sflag:s21], $0x3000  }
0x9f: {  	s8 =	sshrl.u32 s6, $0x3;
	s0 =	sadd.s32 $0x1, s0;
	[sflag:s21] =	ssyncset.done $0x0  }
0xa0: {  	s1 =	sshll.u32 s1, $0x6;
	p0 =	sne.s32 s0, s17;
	[sflag:s21] =	ssyncadd.s32 $0xFFFFD000  }
.Ltmp2:
0xa1: {  	s1 =	sor.u32 $0x1C05, s1;
	[bflag:$0x0] =	sbarrier.arrive $0xFFFF;
	(pc) =	sbr.rel @p0 .LBB2_1-.Ltmp2, $4  }
0xa2: {  	[hbm:s16], [sflag:s1] =	dma.local [spmem:s8], $0x2800  }
0xa3: {  	_ =	swait.ge [sflag:s21], $0x2800  }
0xa4: {  	[sflag:s21] =	ssyncset.done $0x0  }
0xa5: {  	[sflag:s21] =	ssyncadd.s32 $0xFFFFD800  }
0xa6: {  	_ =	sfence.sel $0x180000  }
0xa7: {  	[bflag:$0x0] =	sbarrier.arrive $0xFFFF  }
0xa8: {  	_ =	strace $0x90000047  }
0xa9: {  	s0 =	stileid.u32;
	[bflag:$0x2] =	sbarrier.arrive $0xFFFF  }
0xaa: {  	p0 =	sne.s32 s0, $0x0;
	s0 =	rddreg [dreg:$0x2]  }
0xab: {  	s0 =	sadd.s32 @!p0 $0x100000, s0  }
0xac: {  	[sflag:s0] =	ssyncadd.tile.s32 @!p0 $0x1;
	_ =	shalt  }
.Lfunc_end2:
_tile_overlayer_lowered:
.L_overlay_start_2:
0xad: {  	(tag) =	ssettag $0x2  }
0xae: {  	s0 =	rddreg [dreg:$0x0];
	s2 =	stileid.u32  }
0xaf: {  	s1 =	rddreg [dreg:$0x1];
	p0 =	sne.s32 s2, $0x0  }
0xb0: {  	s3 =	rddreg [dreg:$0x2];
	[bflag:$0x3] =	sbarrier.arrive $0xFFFF;
	s2 =	simm.s32 @!p0 $0x1C05  }
0xb1: {  	[timem:s3], [sflag:s2] =	dma.local @!p0 [hbm:s0], s1  }
0xb2: {  	s0 =	simm.s32 @!p0 $0x5  }
0xb3: {  	_ =	swait.ge @!p0 [sflag:s0], s1  }
0xb4: {  	s1 =	ssub.s32 @!p0 $0x0, s1;
	[sflag:s0] =	ssyncset.done @!p0 $0x0  }
0xb5: {  	[sflag:s0] =	ssyncadd.s32 @!p0 s1  }
0xb6: {  	[bflag:$0x3] =	sbarrier.arrive $0xFFFF  }
0xb7: {  	_ =	shalt  }

</sc_bundles>
